<compile_context>
chip_gen: v7x
topology: tpu7x:2x2x1
jax: 0.10.2.dev20260603
libtpu: 0.0.44.dev20260713+nightly
codegen_flags: <defaults>
</compile_context>

<pallas_src>
import functools

import jax
import jax.numpy as jnp
from jax import lax
from jax.experimental import pallas as pl
from jax.experimental.pallas import tpu as pltpu
from jax.experimental.pallas import tpu_sc as plsc

B, S = 4, 2048
N = B * S
H = 768
NUM_EMB = H // 4
UNI_LAYOUT = NUM_EMB // 2
UNI_TREE = (H - NUM_EMB) // 2
EPS = 1e-6

NC, NS, L = 2, 16, 16
NW = NC * NS
PER_W = N // NW
CHUNK = 32
NBUF = 4
NCHUNK = PER_W // CHUNK


def _sc_gather():
    mesh = plsc.VectorSubcoreMesh(core_axis_name="c", subcore_axis_name="s")

    slot = [
        pltpu.VMEM((CHUNK, H), jnp.float32),
        pltpu.SemaphoreType.DMA,
        pltpu.SemaphoreType.DMA,
    ]

    @functools.partial(
        pl.kernel,
        mesh=mesh,
        out_type=jax.ShapeDtypeStruct((N, H), jnp.float32),
        compiler_params=pltpu.CompilerParams(needs_layout_passes=False),
        scratch_types=[pltpu.VMEM((PER_W,), jnp.int32)]
        + slot + slot + slot + slot,
    )
    def sc_kernel(tok_id, tokW, out_hbm, i_tok,
                  b0, g0, s0, b1, g1, s1, b2, g2, s2, b3, g3, s3):
        wid = lax.axis_index("s") * NC + lax.axis_index("c")
        w0 = wid * PER_W
        pltpu.sync_copy(tok_id.at[w0 // S, pl.ds(w0 % S, PER_W)], i_tok)

        bufs = ((b0, g0, s0), (b1, g1, s1), (b2, g2, s2), (b3, g3, s3))

        def gather(c, bset):
            return pltpu.make_async_copy(
                tokW.at[i_tok.at[pl.ds(c * CHUNK, CHUNK)]], bset[0], bset[1])

        def store(c, bset):
            return pltpu.make_async_copy(
                bset[0], out_hbm.at[pl.ds(w0 + c * CHUNK, CHUNK), :], bset[2])

        gather(0, bufs[0]).start()
        gather(1, bufs[1]).start()

        def chunk_body(c, carry):
            for b in range(NBUF):

                @pl.when(c % NBUF == b)
                def _():
                    gather(c, bufs[b]).wait()
                    store(c, bufs[b]).start()

                    b2i = (b + 2) % NBUF

                    @pl.when(c >= 2)
                    def _():
                        store(c - 2, bufs[b2i]).wait()

                    @pl.when(c + 2 < NCHUNK)
                    def _():
                        gather(c + 2, bufs[b2i]).start()

            return carry

        lax.fori_loop(0, NCHUNK, chunk_body, 0)
        store(NCHUNK - 2, bufs[(NCHUNK - 2) % NBUF]).wait()
        store(NCHUNK - 1, bufs[(NCHUNK - 1) % NBUF]).wait()

    return sc_kernel


_SC_GATHER = _sc_gather()

TC_BLK = 1024


def _onehot(ids, n):
    return (ids[:, None]
            == lax.broadcasted_iota(jnp.int32, (TC_BLK, n), 1)
            ).astype(jnp.float32)


def _select(oh, w_ref):
    w = w_ref[...]
    hi = w.astype(jnp.bfloat16).astype(jnp.float32)
    lo = w - hi
    d = functools.partial(jnp.dot, preferred_element_type=jnp.float32)
    return d(oh, hi) + d(oh, lo)


def _tc_body(part_ref, ord_ref, mag_ref, pre_ref, top_ref, low_ref,
             row_ref, col_ref, pt_ref, pl_ref, fv_ref,
             ordW_ref, magW_ref, preW_ref, topW_ref, lowW_ref,
             rowW_ref, colW_ref, treeW_ref, fmtW_ref, g_ref, b_ref, o_ref):
    f32 = jnp.float32
    bi = pl.program_id(0)
    sj = pl.ds(pl.program_id(1) * TC_BLK, TC_BLK)
    numeric = jnp.concatenate(
        [_select(_onehot(mag_ref[bi, sj], 12), magW_ref),
         _select(_onehot(pre_ref[bi, sj], 12), preW_ref),
         _select(_onehot(top_ref[bi, sj], 12), topW_ref),
         _select(_onehot(low_ref[bi, sj], 12), lowW_ref)], axis=1)
    order_states = _select(_onehot(ord_ref[bi, sj], 256), ordW_ref)
    row_states = _select(_onehot(row_ref[bi, sj], 257), rowW_ref)
    col_states = _select(_onehot(col_ref[bi, sj], 257), colW_ref)
    ptf = pt_ref[0].astype(f32)
    plf = pl_ref[0].astype(f32)
    top_tree = jnp.tile(ptf, (1, 3)) * treeW_ref[0][None, :]
    left_tree = jnp.tile(plf, (1, 3)) * treeW_ref[1][None, :]
    position = order_states + jnp.concatenate(
        [row_states, left_tree, col_states, top_tree], axis=1)
    fv = fv_ref[0]
    fv_hi = fv.astype(jnp.bfloat16).astype(f32)
    fv_lo = fv - fv_hi
    fw = fmtW_ref[...]
    fw_hi = fw.astype(jnp.bfloat16).astype(f32)
    fw_lo = fw - fw_hi
    dg = functools.partial(
        lax.dot_general, dimension_numbers=(((1,), (1,)), ((), ())),
        preferred_element_type=f32)
    fmt_states = dg(fv_hi, fw_hi) + dg(fv_hi, fw_lo) + dg(fv_lo, fw_hi)
    x = part_ref[...] + numeric + position + fmt_states
    mean = jnp.mean(x, axis=-1, keepdims=True)
    var = jnp.mean((x - mean) ** 2, axis=-1, keepdims=True)
    o_ref[0] = ((x - mean) * lax.rsqrt(var + EPS) * g_ref[...]
                + b_ref[...])


def _tc_finish(partial, order, num_mag, num_pre, num_top, num_low,
               pos_row, pos_col, pos_top, pos_left, format_vec,
               order_W, mag_W, pre_W, top_W, low_W, row_W, col_W,
               tree_W, fmt_W, ln_g, ln_b):
    grid = (B, S // TC_BLK)
    ids_spec = pl.BlockSpec((B, S), lambda i, j: (0, 0))
    pos_spec = pl.BlockSpec((1, TC_BLK, UNI_LAYOUT), lambda i, j: (i, j, 0))
    full = lambda *shape: pl.BlockSpec(shape, lambda i, j: (0,) * len(shape))
    return pl.pallas_call(
        _tc_body,
        grid=grid,
        in_specs=[
            pl.BlockSpec((TC_BLK, H),
                         lambda i, j: (i * (S // TC_BLK) + j, 0)),
            ids_spec, ids_spec, ids_spec, ids_spec, ids_spec,
            ids_spec, ids_spec, pos_spec, pos_spec,
            pl.BlockSpec((1, TC_BLK, 11), lambda i, j: (i, j, 0)),
            full(256, H), full(12, NUM_EMB), full(12, NUM_EMB),
            full(12, NUM_EMB), full(12, NUM_EMB),
            full(257, UNI_LAYOUT), full(257, UNI_LAYOUT),
            full(2, UNI_TREE), full(H, 11), full(H,), full(H,),
        ],
        out_specs=pl.BlockSpec((1, TC_BLK, H), lambda i, j: (i, j, 0)),
        out_shape=jax.ShapeDtypeStruct((B, S, H), jnp.float32),
    )(partial, order, num_mag, num_pre, num_top, num_low,
      pos_row, pos_col, pos_top, pos_left, format_vec,
      order_W, mag_W, pre_W, top_W, low_W, row_W, col_W,
      tree_W, fmt_W, ln_g, ln_b)


def kernel(token_id, num_mag, num_pre, num_top, num_low, order, pos_row,
           pos_col, pos_top, pos_left, format_vec, token_W, mag_W, pre_W,
           top_W, low_W, order_W, row_W, col_W, tree_W, fmt_W, ln_g, ln_b):
    i32 = jnp.int32
    partial = _SC_GATHER(token_id.astype(i32), token_W)
    return _tc_finish(partial, order.astype(i32), num_mag.astype(i32),
                      num_pre.astype(i32), num_top.astype(i32),
                      num_low.astype(i32), pos_row.astype(i32),
                      pos_col.astype(i32), pos_top.astype(i32),
                      pos_left.astype(i32), format_vec,
                      order_W, mag_W, pre_W, top_W, low_W, row_W, col_W,
                      tree_W, fmt_W, ln_g, ln_b)

# --- scband reference (transcript-rebuilt; emitter-appended) ---
"""Pipeline reference for scband-embedding-for-tuta-explicit-20332375179610 (READ-ONLY COPY).

The authoritative reference and input builder live on the scoring server;
editing this copy changes nothing except your own understanding.
"""

import jax, jax.numpy as jnp
import numpy as np

B, S = 4, 2048
H = 768
NUM_EMB = H // 4
UNI_LAYOUT = NUM_EMB // 2
UNI_TREE = (H - NUM_EMB) // 2
NODE_DEGREE = [16, 16, 32, 32]
TOTAL_NODE = sum(NODE_DEGREE)
WEIGHT_NUMBER = UNI_TREE // TOTAL_NODE
VOCAB = 30522
MAG = 12; PRE = 12; TOP = 12; LOW = 12
MAX_CELL = 256
ROW = 257; COL = 257
NFMT = 11
EPS = 1e-6

def _init_tree_weight(k):
    base = jax.random.uniform(k, (WEIGHT_NUMBER,))
    curr = jnp.ones((WEIGHT_NUMBER,))
    wm = jnp.ones((WEIGHT_NUMBER, TOTAL_NODE))
    start, end = 0, NODE_DEGREE[0]
    for i in range(len(NODE_DEGREE) - 1):
        curr = curr * base
        start = start + NODE_DEGREE[i]
        end = end + NODE_DEGREE[i + 1]
        wm = wm.at[:, start:end].set(jnp.broadcast_to(curr[:, None], (WEIGHT_NUMBER, end - start)))
    return wm.reshape(-1)

def setup_inputs(seed: int = 0):
    key = jax.random.key(seed)
    ks = jax.random.split(key, 24)
    inp = {}
    inp["token_id"] = jax.random.randint(ks[0], (B, S), 0, VOCAB)
    inp["num_mag"] = jax.random.randint(ks[1], (B, S), 0, MAG)
    inp["num_pre"] = jax.random.randint(ks[2], (B, S), 0, PRE)
    inp["num_top"] = jax.random.randint(ks[3], (B, S), 0, TOP)
    inp["num_low"] = jax.random.randint(ks[4], (B, S), 0, LOW)
    inp["order"] = jax.random.randint(ks[5], (B, S), 0, MAX_CELL)
    inp["pos_row"] = jax.random.randint(ks[6], (B, S), 0, ROW)
    inp["pos_col"] = jax.random.randint(ks[7], (B, S), 0, COL)
    inp["pos_top"] = jax.random.randint(ks[8], (B, S, TOTAL_NODE), 0, 16)
    inp["pos_left"] = jax.random.randint(ks[9], (B, S, TOTAL_NODE), 0, 16)
    inp["format_vec"] = jax.random.uniform(ks[10], (B, S, NFMT), dtype=jnp.float32)
    inp["token_W"] = jax.random.normal(ks[11], (VOCAB, H), jnp.float32) * 0.02
    inp["mag_W"] = jax.random.normal(ks[12], (MAG, NUM_EMB), jnp.float32) * 0.02
    inp["pre_W"] = jax.random.normal(ks[13], (PRE, NUM_EMB), jnp.float32) * 0.02
    inp["top_W"] = jax.random.normal(ks[14], (TOP, NUM_EMB), jnp.float32) * 0.02
    inp["low_W"] = jax.random.normal(ks[15], (LOW, NUM_EMB), jnp.float32) * 0.02
    inp["order_W"] = jax.random.normal(ks[16], (MAX_CELL, H), jnp.float32) * 0.02
    inp["row_W"] = jax.random.normal(ks[17], (ROW, UNI_LAYOUT), jnp.float32) * 0.02
    inp["col_W"] = jax.random.normal(ks[18], (COL, UNI_LAYOUT), jnp.float32) * 0.02
    inp["tree_W"] = jnp.stack([_init_tree_weight(ks[19]), _init_tree_weight(ks[20])]).astype(jnp.float32)
    inp["fmt_W"] = jax.random.normal(ks[21], (H, NFMT), jnp.float32) * 0.02
    inp["ln_g"] = jnp.ones((H,), jnp.float32)
    inp["ln_b"] = jnp.zeros((H,), jnp.float32)
    return inp

def _compute_tree_position(pos, index, tree_W):
    ws = jnp.broadcast_to(tree_W[index], (pos.shape[0], pos.shape[1], UNI_TREE))
    ts = jnp.tile(pos[:, :, None, :].astype(jnp.float32), (1, 1, WEIGHT_NUMBER, 1)).reshape(pos.shape[0], pos.shape[1], UNI_TREE)
    return ws * ts

def reference(token_id, num_mag, num_pre, num_top, num_low, order, pos_row, pos_col, pos_top, pos_left, format_vec, token_W, mag_W, pre_W, top_W, low_W, order_W, row_W, col_W, tree_W, fmt_W, ln_g, ln_b):
    token_states = jnp.take(token_W, token_id, axis=0)
    numeric_states = jnp.concatenate([
        jnp.take(mag_W, num_mag, axis=0),
        jnp.take(pre_W, num_pre, axis=0),
        jnp.take(top_W, num_top, axis=0),
        jnp.take(low_W, num_low, axis=0),
    ], axis=2)
    string_states = token_states + numeric_states
    order_states = jnp.take(order_W, order, axis=0)
    row_states = jnp.take(row_W, pos_row, axis=0)
    col_states = jnp.take(col_W, pos_col, axis=0)
    top_tree = _compute_tree_position(pos_top, 0, tree_W)
    left_tree = _compute_tree_position(pos_left, 1, tree_W)
    position_states = order_states + jnp.concatenate([row_states, left_tree, col_states, top_tree], axis=2)
    format_states = format_vec @ fmt_W.T
    x = string_states + position_states + format_states
    mean = x.mean(-1, keepdims=True)
    var = ((x - mean) ** 2).mean(-1, keepdims=True)
    return (x - mean) / jnp.sqrt(var + EPS) * ln_g + ln_b

if __name__ == "__main__":
    import jax
    _d = setup_inputs()
    print(jax.jit(kernel)(*tuple(_d.values())))

</pallas_src>

<mosaic_0001>
#map = affine_map<(d0, d1) -> (0, 0)>
module attributes {stable_mosaic.version = 14 : i64} {
  func.func @sc_kernel(%arg0: i32, %arg1: i32, %arg2: memref<4x2048xi32, #tpu.memory_space<hbm>>, %arg3: memref<30522x768xf32, #tpu.memory_space<hbm>>, %arg4: memref<8192x768xf32, #tpu.memory_space<hbm>>, %arg5: memref<256xi32, #tpu.memory_space<vmem>>, %arg6: memref<32x768xf32, #tpu.memory_space<vmem>>, %arg7: memref<!tpu.dma_semaphore, #tpu.memory_space<semaphore_mem>>, %arg8: memref<!tpu.dma_semaphore, #tpu.memory_space<semaphore_mem>>, %arg9: memref<32x768xf32, #tpu.memory_space<vmem>>, %arg10: memref<!tpu.dma_semaphore, #tpu.memory_space<semaphore_mem>>, %arg11: memref<!tpu.dma_semaphore, #tpu.memory_space<semaphore_mem>>, %arg12: memref<32x768xf32, #tpu.memory_space<vmem>>, %arg13: memref<!tpu.dma_semaphore, #tpu.memory_space<semaphore_mem>>, %arg14: memref<!tpu.dma_semaphore, #tpu.memory_space<semaphore_mem>>, %arg15: memref<32x768xf32, #tpu.memory_space<vmem>>, %arg16: memref<!tpu.dma_semaphore, #tpu.memory_space<semaphore_mem>>, %arg17: memref<!tpu.dma_semaphore, #tpu.memory_space<semaphore_mem>>) attributes {dimension_semantics = [#tpu.dimension_semantics<core_parallel>, #tpu.dimension_semantics<subcore_parallel>], iteration_bounds = array<i64: 2, 16>, scalar_prefetch = 0 : i64, scratch_operands = 13 : i64, tpu.core_type = #tpu.core_type<sc_vector_subcore>, window_params = [{transform_indices = #map}, {transform_indices = #map}, {transform_indices = #map}]} {
    %mul3A = arith.constant 2 : i32
    %mul3A_0 = arith.muli %arg1, %mul3A : i32
    %add3A = arith.addi %mul3A_0, %arg0 : i32
    %mul3A_1 = arith.constant 256 : i32
    %mul3A_2 = arith.muli %add3A, %mul3A_1 : i32
    %jit3A = arith.constant 2048 : i32
    %div3A = arith.divsi %mul3A_2, %jit3A : i32
    %sign3A = arith.constant 0 : i32
    %sign3A_3 = arith.cmpi sgt, %mul3A_2, %sign3A : i32
    %sign3A_4 = arith.extui %sign3A_3 : i1 to i32
    %sign3A_5 = arith.constant 0 : i32
    %sign3A_6 = arith.cmpi slt, %mul3A_2, %sign3A_5 : i32
    %sign3A_7 = arith.extui %sign3A_6 : i1 to i32
    %sign3A_8 = arith.subi %sign3A_4, %sign3A_7 : i32
    %sign3A_9 = arith.constant 0 : i32
    %sign3A_10 = arith.cmpi sgt, %jit3A, %sign3A_9 : i32
    %sign3A_11 = arith.extui %sign3A_10 : i1 to i32
    %sign3A_12 = arith.constant 0 : i32
    %sign3A_13 = arith.cmpi slt, %jit3A, %sign3A_12 : i32
    %sign3A_14 = arith.extui %sign3A_13 : i1 to i32
    %sign3A_15 = arith.subi %sign3A_11, %sign3A_14 : i32
    %ne3A = arith.cmpi ne, %sign3A_8, %sign3A_15 : i32
    %rem3A = arith.remsi %mul3A_2, %jit3A : i32
    %ne3A_16 = arith.constant 0 : i32
    %ne3A_17 = arith.cmpi ne, %rem3A, %ne3A_16 : i32
    %and3A = arith.andi %ne3A, %ne3A_17 : i1
    %sub3A = arith.constant 1 : i32
    %sub3A_18 = arith.subi %div3A, %sub3A : i32
    %select_n3A = arith.select %and3A, %sub3A_18, %div3A : i32
    %jit3A_19 = arith.constant 2048 : i32
    %eq3A = arith.constant 0 : i32
    %eq3A_20 = arith.cmpi eq, %jit3A_19, %eq3A : i32
    %jit3A_21 = arith.constant 1 : i32
    %select_n3A_22 = arith.select %eq3A_20, %jit3A_21, %jit3A_19 : i32
    %rem3A_23 = arith.remsi %mul3A_2, %select_n3A_22 : i32
    %ne3A_24 = arith.constant 0 : i32
    %ne3A_25 = arith.cmpi ne, %rem3A_23, %ne3A_24 : i32
    %lt3A = arith.constant 0 : i32
    %lt3A_26 = arith.cmpi slt, %rem3A_23, %lt3A : i32
    %lt3A_27 = arith.constant 0 : i32
    %lt3A_28 = arith.cmpi slt, %select_n3A_22, %lt3A_27 : i32
    %ne3A_29 = arith.xori %lt3A_26, %lt3A_28 : i1
    %and3A_30 = arith.andi %ne3A_29, %ne3A_25 : i1
    %add3A_31 = arith.addi %rem3A_23, %select_n3A_22 : i32
    %select_n3A_32 = arith.select %and3A_30, %add3A_31, %rem3A_23 : i32
    "tpu.region"() ({
      %run_scoped3A = tpu.sem_alloc : memref<!tpu.dma_semaphore, #tpu.memory_space<semaphore_mem>>
      %dma_start3A_58 = tpu.memref_slice %arg2[%select_n3A, %select_n3A_32] : memref<4x2048xi32, #tpu.memory_space<hbm>> -> memref<1x256xi32, #tpu.memory_space<hbm>>
      %dma_start3A_59 = tpu.memref_squeeze %dma_start3A_58 : memref<1x256xi32, #tpu.memory_space<hbm>> -> memref<256xi32, #tpu.memory_space<hbm>>
      %dma_start3A_60 = tpu.memref_slice %arg2[%select_n3A, %select_n3A_32] : memref<4x2048xi32, #tpu.memory_space<hbm>> -> memref<1x256xi32, #tpu.memory_space<hbm>>
      %dma_start3A_61 = tpu.memref_squeeze %dma_start3A_60 : memref<1x256xi32, #tpu.memory_space<hbm>> -> memref<256xi32, #tpu.memory_space<hbm>>
      tpu.enqueue_dma source(%dma_start3A_61 : memref<256xi32, #tpu.memory_space<hbm>>) target(%arg5 : memref<256xi32, #tpu.memory_space<vmem>>) target_semaphore(%run_scoped3A : memref<!tpu.dma_semaphore, #tpu.memory_space<semaphore_mem>>)
      %dma_wait3A_62 = tpu.memref_slice %arg2[%select_n3A, %select_n3A_32] : memref<4x2048xi32, #tpu.memory_space<hbm>> -> memref<1x256xi32, #tpu.memory_space<hbm>>
      %dma_wait3A_63 = tpu.memref_squeeze %dma_wait3A_62 : memref<1x256xi32, #tpu.memory_space<hbm>> -> memref<256xi32, #tpu.memory_space<hbm>>
      %dma_wait3A_64 = tpu.memref_slice %arg2[%select_n3A, %select_n3A_32] : memref<4x2048xi32, #tpu.memory_space<hbm>> -> memref<1x256xi32, #tpu.memory_space<hbm>>
      %dma_wait3A_65 = tpu.memref_squeeze %dma_wait3A_64 : memref<1x256xi32, #tpu.memory_space<hbm>> -> memref<256xi32, #tpu.memory_space<hbm>>
      tpu.wait_dma2 semaphore(%run_scoped3A : memref<!tpu.dma_semaphore, #tpu.memory_space<semaphore_mem>>) src(%dma_wait3A_65 : memref<256xi32, #tpu.memory_space<hbm>>) dst(%arg5 : memref<256xi32, #tpu.memory_space<vmem>>)
      tpu.yield
    }) : () -> ()
    %dma_start3A = arith.constant 0 : i32
    %dma_start3A_33 = tpu.memref_slice %arg5[%dma_start3A] : memref<256xi32, #tpu.memory_space<vmem>> -> memref<32xi32, #tpu.memory_space<vmem>>
    %dma_start3A_34 = arith.constant 0 : i32
    %dma_start3A_35 = arith.constant 0 : i32
    %dma_start3A_36 = tpu.memref_slice %arg3[%dma_start3A_34, %dma_start3A_35] : memref<30522x768xf32, #tpu.memory_space<hbm>> -> memref<30522x768xf32, #tpu.memory_space<hbm>>
    tpu.enqueue_indirect_dma source(%dma_start3A_36 : memref<30522x768xf32, #tpu.memory_space<hbm>>) target(%arg6 : memref<32x768xf32, #tpu.memory_space<vmem>>) offsets(%dma_start3A_33 : memref<32xi32, #tpu.memory_space<vmem>>) semaphore(%arg7 : memref<!tpu.dma_semaphore, #tpu.memory_space<semaphore_mem>>)
    %dma_start3A_37 = arith.constant 32 : i32
    %dma_start3A_38 = tpu.memref_slice %arg5[%dma_start3A_37] : memref<256xi32, #tpu.memory_space<vmem>> -> memref<32xi32, #tpu.memory_space<vmem>>
    %dma_start3A_39 = arith.constant 0 : i32
    %dma_start3A_40 = arith.constant 0 : i32
    %dma_start3A_41 = tpu.memref_slice %arg3[%dma_start3A_39, %dma_start3A_40] : memref<30522x768xf32, #tpu.memory_space<hbm>> -> memref<30522x768xf32, #tpu.memory_space<hbm>>
    tpu.enqueue_indirect_dma source(%dma_start3A_41 : memref<30522x768xf32, #tpu.memory_space<hbm>>) target(%arg9 : memref<32x768xf32, #tpu.memory_space<vmem>>) offsets(%dma_start3A_38 : memref<32xi32, #tpu.memory_space<vmem>>) semaphore(%arg10 : memref<!tpu.dma_semaphore, #tpu.memory_space<semaphore_mem>>)
    %scan3A = arith.constant 0 : i32
    %scan3A_42 = arith.constant 0 : i32
    %scan3A_43 = arith.constant 8 : i32
    %scan3A_44 = arith.addi %scan3A_42, %scan3A_43 : i32
    %scan3A_45 = arith.constant 1 : i32
    scf.for %scan3A_58 = %scan3A_42 to %scan3A_44 step %scan3A_45  : i32 {
      %jit3A_59 = arith.constant 4 : i32
      %eq3A_60 = arith.constant 0 : i32
      %eq3A_61 = arith.cmpi eq, %jit3A_59, %eq3A_60 : i32
      %jit3A_62 = arith.constant 1 : i32
      %select_n3A_63 = arith.select %eq3A_61, %jit3A_62, %jit3A_59 : i32
      %rem3A_64 = arith.remsi %scan3A_58, %select_n3A_63 : i32
      %ne3A_65 = arith.constant 0 : i32
      %ne3A_66 = arith.cmpi ne, %rem3A_64, %ne3A_65 : i32
      %lt3A_67 = arith.constant 0 : i32
      %lt3A_68 = arith.cmpi slt, %rem3A_64, %lt3A_67 : i32
      %lt3A_69 = arith.constant 0 : i32
      %lt3A_70 = arith.cmpi slt, %select_n3A_63, %lt3A_69 : i32
      %ne3A_71 = arith.xori %lt3A_68, %lt3A_70 : i1
      %and3A_72 = arith.andi %ne3A_71, %ne3A_66 : i1
      %add3A_73 = arith.addi %rem3A_64, %select_n3A_63 : i32
      %select_n3A_74 = arith.select %and3A_72, %add3A_73, %rem3A_64 : i32
      %eq3A_75 = arith.constant 0 : i32
      %eq3A_76 = arith.cmpi eq, %select_n3A_74, %eq3A_75 : i32
      %convert_element_type3A = arith.extui %eq3A_76 : i1 to i32
      %cond3A = arith.constant 0 : i32
      %cond3A_77 = arith.cmpi ne, %convert_element_type3A, %cond3A : i32
      scf.if %cond3A_77 {
        %mul3A_141 = arith.constant 32 : i32
        %mul3A_142 = arith.muli %scan3A_58, %mul3A_141 : i32
        %dma_wait3A_143 = tpu.memref_slice %arg5[%mul3A_142] : memref<256xi32, #tpu.memory_space<vmem>> -> memref<32xi32, #tpu.memory_space<vmem>>
        %dma_wait3A_144 = arith.constant 0 : i32
        %dma_wait3A_145 = arith.constant 0 : i32
        %dma_wait3A_146 = tpu.memref_slice %arg3[%dma_wait3A_144, %dma_wait3A_145] : memref<30522x768xf32, #tpu.memory_space<hbm>> -> memref<30522x768xf32, #tpu.memory_space<hbm>>
        tpu.wait_indirect_dma semaphore(%arg7 : memref<!tpu.dma_semaphore, #tpu.memory_space<semaphore_mem>>) src(%dma_wait3A_146 : memref<30522x768xf32, #tpu.memory_space<hbm>>) dst(%arg6 : memref<32x768xf32, #tpu.memory_space<vmem>>)
        %mul3A_147 = arith.constant 32 : i32
        %mul3A_148 = arith.muli %scan3A_58, %mul3A_147 : i32
        %add3A_149 = arith.addi %mul3A_2, %mul3A_148 : i32
        %dma_start3A_150 = arith.constant 0 : i32
        %dma_start3A_151 = tpu.memref_slice %arg4[%add3A_149, %dma_start3A_150] : memref<8192x768xf32, #tpu.memory_space<hbm>> -> memref<32x768xf32, #tpu.memory_space<hbm>>
        %dma_start3A_152 = arith.constant 0 : i32
        %dma_start3A_153 = tpu.memref_slice %arg4[%add3A_149, %dma_start3A_152] : memref<8192x768xf32, #tpu.memory_space<hbm>> -> memref<32x768xf32, #tpu.memory_space<hbm>>
        tpu.enqueue_dma source(%arg6 : memref<32x768xf32, #tpu.memory_space<vmem>>) target(%dma_start3A_153 : memref<32x768xf32, #tpu.memory_space<hbm>>) target_semaphore(%arg8 : memref<!tpu.dma_semaphore, #tpu.memory_space<semaphore_mem>>)
        %ge3A = arith.constant 2 : i32
        %ge3A_154 = arith.cmpi sge, %scan3A_58, %ge3A : i32
        %convert_element_type3A_155 = arith.extui %ge3A_154 : i1 to i32
        %cond3A_156 = arith.constant 0 : i32
        %cond3A_157 = arith.cmpi ne, %convert_element_type3A_155, %cond3A_156 : i32
        scf.if %cond3A_157 {
          %sub3A_165 = arith.constant 2 : i32
          %sub3A_166 = arith.subi %scan3A_58, %sub3A_165 : i32
          %mul3A_167 = arith.constant 32 : i32
          %mul3A_168 = arith.muli %sub3A_166, %mul3A_167 : i32
          %add3A_169 = arith.addi %mul3A_2, %mul3A_168 : i32
          %dma_wait3A_170 = arith.constant 0 : i32
          %dma_wait3A_171 = tpu.memref_slice %arg4[%add3A_169, %dma_wait3A_170] : memref<8192x768xf32, #tpu.memory_space<hbm>> -> memref<32x768xf32, #tpu.memory_space<hbm>>
          %dma_wait3A_172 = arith.constant 0 : i32
          %dma_wait3A_173 = tpu.memref_slice %arg4[%add3A_169, %dma_wait3A_172] : memref<8192x768xf32, #tpu.memory_space<hbm>> -> memref<32x768xf32, #tpu.memory_space<hbm>>
          tpu.wait_dma2 semaphore(%arg14 : memref<!tpu.dma_semaphore, #tpu.memory_space<semaphore_mem>>) src(%arg12 : memref<32x768xf32, #tpu.memory_space<vmem>>) dst(%dma_wait3A_173 : memref<32x768xf32, #tpu.memory_space<hbm>>)
        } else {
        }
        %add3A_158 = arith.constant 2 : i32
        %add3A_159 = arith.addi %scan3A_58, %add3A_158 : i32
        %lt3A_160 = arith.constant 8 : i32
        %lt3A_161 = arith.cmpi slt, %add3A_159, %lt3A_160 : i32
        %convert_element_type3A_162 = arith.extui %lt3A_161 : i1 to i32
        %cond3A_163 = arith.constant 0 : i32
        %cond3A_164 = arith.cmpi ne, %convert_element_type3A_162, %cond3A_163 : i32
        scf.if %cond3A_164 {
          %add3A_165 = arith.constant 2 : i32
          %add3A_166 = arith.addi %scan3A_58, %add3A_165 : i32
          %mul3A_167 = arith.constant 32 : i32
          %mul3A_168 = arith.muli %add3A_166, %mul3A_167 : i32
          %dma_start3A_169 = tpu.memref_slice %arg5[%mul3A_168] : memref<256xi32, #tpu.memory_space<vmem>> -> memref<32xi32, #tpu.memory_space<vmem>>
          %dma_start3A_170 = arith.constant 0 : i32
          %dma_start3A_171 = arith.constant 0 : i32
          %dma_start3A_172 = tpu.memref_slice %arg3[%dma_start3A_170, %dma_start3A_171] : memref<30522x768xf32, #tpu.memory_space<hbm>> -> memref<30522x768xf32, #tpu.memory_space<hbm>>
          tpu.enqueue_indirect_dma source(%dma_start3A_172 : memref<30522x768xf32, #tpu.memory_space<hbm>>) target(%arg12 : memref<32x768xf32, #tpu.memory_space<vmem>>) offsets(%dma_start3A_169 : memref<32xi32, #tpu.memory_space<vmem>>) semaphore(%arg13 : memref<!tpu.dma_semaphore, #tpu.memory_space<semaphore_mem>>)
        } else {
        }
      } else {
      }
      %jit3A_78 = arith.constant 4 : i32
      %eq3A_79 = arith.constant 0 : i32
      %eq3A_80 = arith.cmpi eq, %jit3A_78, %eq3A_79 : i32
      %jit3A_81 = arith.constant 1 : i32
      %select_n3A_82 = arith.select %eq3A_80, %jit3A_81, %jit3A_78 : i32
      %rem3A_83 = arith.remsi %scan3A_58, %select_n3A_82 : i32
      %ne3A_84 = arith.constant 0 : i32
      %ne3A_85 = arith.cmpi ne, %rem3A_83, %ne3A_84 : i32
      %lt3A_86 = arith.constant 0 : i32
      %lt3A_87 = arith.cmpi slt, %rem3A_83, %lt3A_86 : i32
      %lt3A_88 = arith.constant 0 : i32
      %lt3A_89 = arith.cmpi slt, %select_n3A_82, %lt3A_88 : i32
      %ne3A_90 = arith.xori %lt3A_87, %lt3A_89 : i1
      %and3A_91 = arith.andi %ne3A_90, %ne3A_85 : i1
      %add3A_92 = arith.addi %rem3A_83, %select_n3A_82 : i32
      %select_n3A_93 = arith.select %and3A_91, %add3A_92, %rem3A_83 : i32
      %eq3A_94 = arith.constant 1 : i32
      %eq3A_95 = arith.cmpi eq, %select_n3A_93, %eq3A_94 : i32
      %convert_element_type3A_96 = arith.extui %eq3A_95 : i1 to i32
      %cond3A_97 = arith.constant 0 : i32
      %cond3A_98 = arith.cmpi ne, %convert_element_type3A_96, %cond3A_97 : i32
      scf.if %cond3A_98 {
        %mul3A_141 = arith.constant 32 : i32
        %mul3A_142 = arith.muli %scan3A_58, %mul3A_141 : i32
        %dma_wait3A_143 = tpu.memref_slice %arg5[%mul3A_142] : memref<256xi32, #tpu.memory_space<vmem>> -> memref<32xi32, #tpu.memory_space<vmem>>
        %dma_wait3A_144 = arith.constant 0 : i32
        %dma_wait3A_145 = arith.constant 0 : i32
        %dma_wait3A_146 = tpu.memref_slice %arg3[%dma_wait3A_144, %dma_wait3A_145] : memref<30522x768xf32, #tpu.memory_space<hbm>> -> memref<30522x768xf32, #tpu.memory_space<hbm>>
        tpu.wait_indirect_dma semaphore(%arg10 : memref<!tpu.dma_semaphore, #tpu.memory_space<semaphore_mem>>) src(%dma_wait3A_146 : memref<30522x768xf32, #tpu.memory_space<hbm>>) dst(%arg9 : memref<32x768xf32, #tpu.memory_space<vmem>>)
        %mul3A_147 = arith.constant 32 : i32
        %mul3A_148 = arith.muli %scan3A_58, %mul3A_147 : i32
        %add3A_149 = arith.addi %mul3A_2, %mul3A_148 : i32
        %dma_start3A_150 = arith.constant 0 : i32
        %dma_start3A_151 = tpu.memref_slice %arg4[%add3A_149, %dma_start3A_150] : memref<8192x768xf32, #tpu.memory_space<hbm>> -> memref<32x768xf32, #tpu.memory_space<hbm>>
        %dma_start3A_152 = arith.constant 0 : i32
        %dma_start3A_153 = tpu.memref_slice %arg4[%add3A_149, %dma_start3A_152] : memref<8192x768xf32, #tpu.memory_space<hbm>> -> memref<32x768xf32, #tpu.memory_space<hbm>>
        tpu.enqueue_dma source(%arg9 : memref<32x768xf32, #tpu.memory_space<vmem>>) target(%dma_start3A_153 : memref<32x768xf32, #tpu.memory_space<hbm>>) target_semaphore(%arg11 : memref<!tpu.dma_semaphore, #tpu.memory_space<semaphore_mem>>)
        %ge3A = arith.constant 2 : i32
        %ge3A_154 = arith.cmpi sge, %scan3A_58, %ge3A : i32
        %convert_element_type3A_155 = arith.extui %ge3A_154 : i1 to i32
        %cond3A_156 = arith.constant 0 : i32
        %cond3A_157 = arith.cmpi ne, %convert_element_type3A_155, %cond3A_156 : i32
        scf.if %cond3A_157 {
          %sub3A_165 = arith.constant 2 : i32
          %sub3A_166 = arith.subi %scan3A_58, %sub3A_165 : i32
          %mul3A_167 = arith.constant 32 : i32
          %mul3A_168 = arith.muli %sub3A_166, %mul3A_167 : i32
          %add3A_169 = arith.addi %mul3A_2, %mul3A_168 : i32
          %dma_wait3A_170 = arith.constant 0 : i32
          %dma_wait3A_171 = tpu.memref_slice %arg4[%add3A_169, %dma_wait3A_170] : memref<8192x768xf32, #tpu.memory_space<hbm>> -> memref<32x768xf32, #tpu.memory_space<hbm>>
          %dma_wait3A_172 = arith.constant 0 : i32
          %dma_wait3A_173 = tpu.memref_slice %arg4[%add3A_169, %dma_wait3A_172] : memref<8192x768xf32, #tpu.memory_space<hbm>> -> memref<32x768xf32, #tpu.memory_space<hbm>>
          tpu.wait_dma2 semaphore(%arg17 : memref<!tpu.dma_semaphore, #tpu.memory_space<semaphore_mem>>) src(%arg15 : memref<32x768xf32, #tpu.memory_space<vmem>>) dst(%dma_wait3A_173 : memref<32x768xf32, #tpu.memory_space<hbm>>)
        } else {
        }
        %add3A_158 = arith.constant 2 : i32
        %add3A_159 = arith.addi %scan3A_58, %add3A_158 : i32
        %lt3A_160 = arith.constant 8 : i32
        %lt3A_161 = arith.cmpi slt, %add3A_159, %lt3A_160 : i32
        %convert_element_type3A_162 = arith.extui %lt3A_161 : i1 to i32
        %cond3A_163 = arith.constant 0 : i32
        %cond3A_164 = arith.cmpi ne, %convert_element_type3A_162, %cond3A_163 : i32
        scf.if %cond3A_164 {
          %add3A_165 = arith.constant 2 : i32
          %add3A_166 = arith.addi %scan3A_58, %add3A_165 : i32
          %mul3A_167 = arith.constant 32 : i32
          %mul3A_168 = arith.muli %add3A_166, %mul3A_167 : i32
          %dma_start3A_169 = tpu.memref_slice %arg5[%mul3A_168] : memref<256xi32, #tpu.memory_space<vmem>> -> memref<32xi32, #tpu.memory_space<vmem>>
          %dma_start3A_170 = arith.constant 0 : i32
          %dma_start3A_171 = arith.constant 0 : i32
          %dma_start3A_172 = tpu.memref_slice %arg3[%dma_start3A_170, %dma_start3A_171] : memref<30522x768xf32, #tpu.memory_space<hbm>> -> memref<30522x768xf32, #tpu.memory_space<hbm>>
          tpu.enqueue_indirect_dma source(%dma_start3A_172 : memref<30522x768xf32, #tpu.memory_space<hbm>>) target(%arg15 : memref<32x768xf32, #tpu.memory_space<vmem>>) offsets(%dma_start3A_169 : memref<32xi32, #tpu.memory_space<vmem>>) semaphore(%arg16 : memref<!tpu.dma_semaphore, #tpu.memory_space<semaphore_mem>>)
        } else {
        }
      } else {
      }
      %jit3A_99 = arith.constant 4 : i32
      %eq3A_100 = arith.constant 0 : i32
      %eq3A_101 = arith.cmpi eq, %jit3A_99, %eq3A_100 : i32
      %jit3A_102 = arith.constant 1 : i32
      %select_n3A_103 = arith.select %eq3A_101, %jit3A_102, %jit3A_99 : i32
      %rem3A_104 = arith.remsi %scan3A_58, %select_n3A_103 : i32
      %ne3A_105 = arith.constant 0 : i32
      %ne3A_106 = arith.cmpi ne, %rem3A_104, %ne3A_105 : i32
      %lt3A_107 = arith.constant 0 : i32
      %lt3A_108 = arith.cmpi slt, %rem3A_104, %lt3A_107 : i32
      %lt3A_109 = arith.constant 0 : i32
      %lt3A_110 = arith.cmpi slt, %select_n3A_103, %lt3A_109 : i32
      %ne3A_111 = arith.xori %lt3A_108, %lt3A_110 : i1
      %and3A_112 = arith.andi %ne3A_111, %ne3A_106 : i1
      %add3A_113 = arith.addi %rem3A_104, %select_n3A_103 : i32
      %select_n3A_114 = arith.select %and3A_112, %add3A_113, %rem3A_104 : i32
      %eq3A_115 = arith.constant 2 : i32
      %eq3A_116 = arith.cmpi eq, %select_n3A_114, %eq3A_115 : i32
      %convert_element_type3A_117 = arith.extui %eq3A_116 : i1 to i32
      %cond3A_118 = arith.constant 0 : i32
      %cond3A_119 = arith.cmpi ne, %convert_element_type3A_117, %cond3A_118 : i32
      scf.if %cond3A_119 {
        %mul3A_141 = arith.constant 32 : i32
        %mul3A_142 = arith.muli %scan3A_58, %mul3A_141 : i32
        %dma_wait3A_143 = tpu.memref_slice %arg5[%mul3A_142] : memref<256xi32, #tpu.memory_space<vmem>> -> memref<32xi32, #tpu.memory_space<vmem>>
        %dma_wait3A_144 = arith.constant 0 : i32
        %dma_wait3A_145 = arith.constant 0 : i32
        %dma_wait3A_146 = tpu.memref_slice %arg3[%dma_wait3A_144, %dma_wait3A_145] : memref<30522x768xf32, #tpu.memory_space<hbm>> -> memref<30522x768xf32, #tpu.memory_space<hbm>>
        tpu.wait_indirect_dma semaphore(%arg13 : memref<!tpu.dma_semaphore, #tpu.memory_space<semaphore_mem>>) src(%dma_wait3A_146 : memref<30522x768xf32, #tpu.memory_space<hbm>>) dst(%arg12 : memref<32x768xf32, #tpu.memory_space<vmem>>)
        %mul3A_147 = arith.constant 32 : i32
        %mul3A_148 = arith.muli %scan3A_58, %mul3A_147 : i32
        %add3A_149 = arith.addi %mul3A_2, %mul3A_148 : i32
        %dma_start3A_150 = arith.constant 0 : i32
        %dma_start3A_151 = tpu.memref_slice %arg4[%add3A_149, %dma_start3A_150] : memref<8192x768xf32, #tpu.memory_space<hbm>> -> memref<32x768xf32, #tpu.memory_space<hbm>>
        %dma_start3A_152 = arith.constant 0 : i32
        %dma_start3A_153 = tpu.memref_slice %arg4[%add3A_149, %dma_start3A_152] : memref<8192x768xf32, #tpu.memory_space<hbm>> -> memref<32x768xf32, #tpu.memory_space<hbm>>
        tpu.enqueue_dma source(%arg12 : memref<32x768xf32, #tpu.memory_space<vmem>>) target(%dma_start3A_153 : memref<32x768xf32, #tpu.memory_space<hbm>>) target_semaphore(%arg14 : memref<!tpu.dma_semaphore, #tpu.memory_space<semaphore_mem>>)
        %ge3A = arith.constant 2 : i32
        %ge3A_154 = arith.cmpi sge, %scan3A_58, %ge3A : i32
        %convert_element_type3A_155 = arith.extui %ge3A_154 : i1 to i32
        %cond3A_156 = arith.constant 0 : i32
        %cond3A_157 = arith.cmpi ne, %convert_element_type3A_155, %cond3A_156 : i32
        scf.if %cond3A_157 {
          %sub3A_165 = arith.constant 2 : i32
          %sub3A_166 = arith.subi %scan3A_58, %sub3A_165 : i32
          %mul3A_167 = arith.constant 32 : i32
          %mul3A_168 = arith.muli %sub3A_166, %mul3A_167 : i32
          %add3A_169 = arith.addi %mul3A_2, %mul3A_168 : i32
          %dma_wait3A_170 = arith.constant 0 : i32
          %dma_wait3A_171 = tpu.memref_slice %arg4[%add3A_169, %dma_wait3A_170] : memref<8192x768xf32, #tpu.memory_space<hbm>> -> memref<32x768xf32, #tpu.memory_space<hbm>>
          %dma_wait3A_172 = arith.constant 0 : i32
          %dma_wait3A_173 = tpu.memref_slice %arg4[%add3A_169, %dma_wait3A_172] : memref<8192x768xf32, #tpu.memory_space<hbm>> -> memref<32x768xf32, #tpu.memory_space<hbm>>
          tpu.wait_dma2 semaphore(%arg8 : memref<!tpu.dma_semaphore, #tpu.memory_space<semaphore_mem>>) src(%arg6 : memref<32x768xf32, #tpu.memory_space<vmem>>) dst(%dma_wait3A_173 : memref<32x768xf32, #tpu.memory_space<hbm>>)
        } else {
        }
        %add3A_158 = arith.constant 2 : i32
        %add3A_159 = arith.addi %scan3A_58, %add3A_158 : i32
        %lt3A_160 = arith.constant 8 : i32
        %lt3A_161 = arith.cmpi slt, %add3A_159, %lt3A_160 : i32
        %convert_element_type3A_162 = arith.extui %lt3A_161 : i1 to i32
        %cond3A_163 = arith.constant 0 : i32
        %cond3A_164 = arith.cmpi ne, %convert_element_type3A_162, %cond3A_163 : i32
        scf.if %cond3A_164 {
          %add3A_165 = arith.constant 2 : i32
          %add3A_166 = arith.addi %scan3A_58, %add3A_165 : i32
          %mul3A_167 = arith.constant 32 : i32
          %mul3A_168 = arith.muli %add3A_166, %mul3A_167 : i32
          %dma_start3A_169 = tpu.memref_slice %arg5[%mul3A_168] : memref<256xi32, #tpu.memory_space<vmem>> -> memref<32xi32, #tpu.memory_space<vmem>>
          %dma_start3A_170 = arith.constant 0 : i32
          %dma_start3A_171 = arith.constant 0 : i32
          %dma_start3A_172 = tpu.memref_slice %arg3[%dma_start3A_170, %dma_start3A_171] : memref<30522x768xf32, #tpu.memory_space<hbm>> -> memref<30522x768xf32, #tpu.memory_space<hbm>>
          tpu.enqueue_indirect_dma source(%dma_start3A_172 : memref<30522x768xf32, #tpu.memory_space<hbm>>) target(%arg6 : memref<32x768xf32, #tpu.memory_space<vmem>>) offsets(%dma_start3A_169 : memref<32xi32, #tpu.memory_space<vmem>>) semaphore(%arg7 : memref<!tpu.dma_semaphore, #tpu.memory_space<semaphore_mem>>)
        } else {
        }
      } else {
      }
      %jit3A_120 = arith.constant 4 : i32
      %eq3A_121 = arith.constant 0 : i32
      %eq3A_122 = arith.cmpi eq, %jit3A_120, %eq3A_121 : i32
      %jit3A_123 = arith.constant 1 : i32
      %select_n3A_124 = arith.select %eq3A_122, %jit3A_123, %jit3A_120 : i32
      %rem3A_125 = arith.remsi %scan3A_58, %select_n3A_124 : i32
      %ne3A_126 = arith.constant 0 : i32
      %ne3A_127 = arith.cmpi ne, %rem3A_125, %ne3A_126 : i32
      %lt3A_128 = arith.constant 0 : i32
      %lt3A_129 = arith.cmpi slt, %rem3A_125, %lt3A_128 : i32
      %lt3A_130 = arith.constant 0 : i32
      %lt3A_131 = arith.cmpi slt, %select_n3A_124, %lt3A_130 : i32
      %ne3A_132 = arith.xori %lt3A_129, %lt3A_131 : i1
      %and3A_133 = arith.andi %ne3A_132, %ne3A_127 : i1
      %add3A_134 = arith.addi %rem3A_125, %select_n3A_124 : i32
      %select_n3A_135 = arith.select %and3A_133, %add3A_134, %rem3A_125 : i32
      %eq3A_136 = arith.constant 3 : i32
      %eq3A_137 = arith.cmpi eq, %select_n3A_135, %eq3A_136 : i32
      %convert_element_type3A_138 = arith.extui %eq3A_137 : i1 to i32
      %cond3A_139 = arith.constant 0 : i32
      %cond3A_140 = arith.cmpi ne, %convert_element_type3A_138, %cond3A_139 : i32
      scf.if %cond3A_140 {
        %mul3A_141 = arith.constant 32 : i32
        %mul3A_142 = arith.muli %scan3A_58, %mul3A_141 : i32
        %dma_wait3A_143 = tpu.memref_slice %arg5[%mul3A_142] : memref<256xi32, #tpu.memory_space<vmem>> -> memref<32xi32, #tpu.memory_space<vmem>>
        %dma_wait3A_144 = arith.constant 0 : i32
        %dma_wait3A_145 = arith.constant 0 : i32
        %dma_wait3A_146 = tpu.memref_slice %arg3[%dma_wait3A_144, %dma_wait3A_145] : memref<30522x768xf32, #tpu.memory_space<hbm>> -> memref<30522x768xf32, #tpu.memory_space<hbm>>
        tpu.wait_indirect_dma semaphore(%arg16 : memref<!tpu.dma_semaphore, #tpu.memory_space<semaphore_mem>>) src(%dma_wait3A_146 : memref<30522x768xf32, #tpu.memory_space<hbm>>) dst(%arg15 : memref<32x768xf32, #tpu.memory_space<vmem>>)
        %mul3A_147 = arith.constant 32 : i32
        %mul3A_148 = arith.muli %scan3A_58, %mul3A_147 : i32
        %add3A_149 = arith.addi %mul3A_2, %mul3A_148 : i32
        %dma_start3A_150 = arith.constant 0 : i32
        %dma_start3A_151 = tpu.memref_slice %arg4[%add3A_149, %dma_start3A_150] : memref<8192x768xf32, #tpu.memory_space<hbm>> -> memref<32x768xf32, #tpu.memory_space<hbm>>
        %dma_start3A_152 = arith.constant 0 : i32
        %dma_start3A_153 = tpu.memref_slice %arg4[%add3A_149, %dma_start3A_152] : memref<8192x768xf32, #tpu.memory_space<hbm>> -> memref<32x768xf32, #tpu.memory_space<hbm>>
        tpu.enqueue_dma source(%arg15 : memref<32x768xf32, #tpu.memory_space<vmem>>) target(%dma_start3A_153 : memref<32x768xf32, #tpu.memory_space<hbm>>) target_semaphore(%arg17 : memref<!tpu.dma_semaphore, #tpu.memory_space<semaphore_mem>>)
        %ge3A = arith.constant 2 : i32
        %ge3A_154 = arith.cmpi sge, %scan3A_58, %ge3A : i32
        %convert_element_type3A_155 = arith.extui %ge3A_154 : i1 to i32
        %cond3A_156 = arith.constant 0 : i32
        %cond3A_157 = arith.cmpi ne, %convert_element_type3A_155, %cond3A_156 : i32
        scf.if %cond3A_157 {
          %sub3A_165 = arith.constant 2 : i32
          %sub3A_166 = arith.subi %scan3A_58, %sub3A_165 : i32
          %mul3A_167 = arith.constant 32 : i32
          %mul3A_168 = arith.muli %sub3A_166, %mul3A_167 : i32
          %add3A_169 = arith.addi %mul3A_2, %mul3A_168 : i32
          %dma_wait3A_170 = arith.constant 0 : i32
          %dma_wait3A_171 = tpu.memref_slice %arg4[%add3A_169, %dma_wait3A_170] : memref<8192x768xf32, #tpu.memory_space<hbm>> -> memref<32x768xf32, #tpu.memory_space<hbm>>
          %dma_wait3A_172 = arith.constant 0 : i32
          %dma_wait3A_173 = tpu.memref_slice %arg4[%add3A_169, %dma_wait3A_172] : memref<8192x768xf32, #tpu.memory_space<hbm>> -> memref<32x768xf32, #tpu.memory_space<hbm>>
          tpu.wait_dma2 semaphore(%arg11 : memref<!tpu.dma_semaphore, #tpu.memory_space<semaphore_mem>>) src(%arg9 : memref<32x768xf32, #tpu.memory_space<vmem>>) dst(%dma_wait3A_173 : memref<32x768xf32, #tpu.memory_space<hbm>>)
        } else {
        }
        %add3A_158 = arith.constant 2 : i32
        %add3A_159 = arith.addi %scan3A_58, %add3A_158 : i32
        %lt3A_160 = arith.constant 8 : i32
        %lt3A_161 = arith.cmpi slt, %add3A_159, %lt3A_160 : i32
        %convert_element_type3A_162 = arith.extui %lt3A_161 : i1 to i32
        %cond3A_163 = arith.constant 0 : i32
        %cond3A_164 = arith.cmpi ne, %convert_element_type3A_162, %cond3A_163 : i32
        scf.if %cond3A_164 {
          %add3A_165 = arith.constant 2 : i32
          %add3A_166 = arith.addi %scan3A_58, %add3A_165 : i32
          %mul3A_167 = arith.constant 32 : i32
          %mul3A_168 = arith.muli %add3A_166, %mul3A_167 : i32
          %dma_start3A_169 = tpu.memref_slice %arg5[%mul3A_168] : memref<256xi32, #tpu.memory_space<vmem>> -> memref<32xi32, #tpu.memory_space<vmem>>
          %dma_start3A_170 = arith.constant 0 : i32
          %dma_start3A_171 = arith.constant 0 : i32
          %dma_start3A_172 = tpu.memref_slice %arg3[%dma_start3A_170, %dma_start3A_171] : memref<30522x768xf32, #tpu.memory_space<hbm>> -> memref<30522x768xf32, #tpu.memory_space<hbm>>
          tpu.enqueue_indirect_dma source(%dma_start3A_172 : memref<30522x768xf32, #tpu.memory_space<hbm>>) target(%arg9 : memref<32x768xf32, #tpu.memory_space<vmem>>) offsets(%dma_start3A_169 : memref<32xi32, #tpu.memory_space<vmem>>) semaphore(%arg10 : memref<!tpu.dma_semaphore, #tpu.memory_space<semaphore_mem>>)
        } else {
        }
      } else {
      }
    }
    %scan3A_46 = arith.constant 8 : i32
    %add3A_47 = arith.constant 192 : i32
    %add3A_48 = arith.addi %mul3A_2, %add3A_47 : i32
    %dma_wait3A = arith.constant 0 : i32
    %dma_wait3A_49 = tpu.memref_slice %arg4[%add3A_48, %dma_wait3A] : memref<8192x768xf32, #tpu.memory_space<hbm>> -> memref<32x768xf32, #tpu.memory_space<hbm>>
    %dma_wait3A_50 = arith.constant 0 : i32
    %dma_wait3A_51 = tpu.memref_slice %arg4[%add3A_48, %dma_wait3A_50] : memref<8192x768xf32, #tpu.memory_space<hbm>> -> memref<32x768xf32, #tpu.memory_space<hbm>>
    tpu.wait_dma2 semaphore(%arg14 : memref<!tpu.dma_semaphore, #tpu.memory_space<semaphore_mem>>) src(%arg12 : memref<32x768xf32, #tpu.memory_space<vmem>>) dst(%dma_wait3A_51 : memref<32x768xf32, #tpu.memory_space<hbm>>)
    %add3A_52 = arith.constant 224 : i32
    %add3A_53 = arith.addi %mul3A_2, %add3A_52 : i32
    %dma_wait3A_54 = arith.constant 0 : i32
    %dma_wait3A_55 = tpu.memref_slice %arg4[%add3A_53, %dma_wait3A_54] : memref<8192x768xf32, #tpu.memory_space<hbm>> -> memref<32x768xf32, #tpu.memory_space<hbm>>
    %dma_wait3A_56 = arith.constant 0 : i32
    %dma_wait3A_57 = tpu.memref_slice %arg4[%add3A_53, %dma_wait3A_56] : memref<8192x768xf32, #tpu.memory_space<hbm>> -> memref<32x768xf32, #tpu.memory_space<hbm>>
    tpu.wait_dma2 semaphore(%arg17 : memref<!tpu.dma_semaphore, #tpu.memory_space<semaphore_mem>>) src(%arg15 : memref<32x768xf32, #tpu.memory_space<vmem>>) dst(%dma_wait3A_57 : memref<32x768xf32, #tpu.memory_space<hbm>>)
    return
  }
}

module attributes {stable_mosaic.version = 14 : i64} {
  func.func @_tc_body(%arg0: i32, %arg1: i32, %arg2: memref<1024x768xf32, #tpu.memory_space<vmem>>, %arg3: memref<4x2048xi32, #tpu.memory_space<vmem>>, %arg4: memref<4x2048xi32, #tpu.memory_space<vmem>>, %arg5: memref<4x2048xi32, #tpu.memory_space<vmem>>, %arg6: memref<4x2048xi32, #tpu.memory_space<vmem>>, %arg7: memref<4x2048xi32, #tpu.memory_space<vmem>>, %arg8: memref<4x2048xi32, #tpu.memory_space<vmem>>, %arg9: memref<4x2048xi32, #tpu.memory_space<vmem>>, %arg10: memref<1x1024x96xi32, #tpu.memory_space<vmem>>, %arg11: memref<1x1024x96xi32, #tpu.memory_space<vmem>>, %arg12: memref<1x1024x11xf32, #tpu.memory_space<vmem>>, %arg13: memref<256x768xf32, #tpu.memory_space<vmem>>, %arg14: memref<12x192xf32, #tpu.memory_space<vmem>>, %arg15: memref<12x192xf32, #tpu.memory_space<vmem>>, %arg16: memref<12x192xf32, #tpu.memory_space<vmem>>, %arg17: memref<12x192xf32, #tpu.memory_space<vmem>>, %arg18: memref<257x96xf32, #tpu.memory_space<vmem>>, %arg19: memref<257x96xf32, #tpu.memory_space<vmem>>, %arg20: memref<2x288xf32, #tpu.memory_space<vmem>>, %arg21: memref<768x11xf32, #tpu.memory_space<vmem>>, %arg22: memref<768xf32, #tpu.memory_space<vmem>>, %arg23: memref<768xf32, #tpu.memory_space<vmem>>, %arg24: memref<1x1024x768xf32, #tpu.memory_space<vmem>>) attributes {dimension_semantics = [#tpu.dimension_semantics<arbitrary>, #tpu.dimension_semantics<arbitrary>], iteration_bounds = array<i64: 4, 2>, scalar_prefetch = 0 : i64, scratch_operands = 0 : i64, tpu.core_type = #tpu.core_type<tc>, window_params = [{transform_indices = @transform_0, window_bounds = array<i64: 1024, 768>}, {pipeline_mode = #tpu.pipeline_mode<synchronous>, transform_indices = @transform_1, window_bounds = array<i64: 4, 2048>}, {pipeline_mode = #tpu.pipeline_mode<synchronous>, transform_indices = @transform_2, window_bounds = array<i64: 4, 2048>}, {pipeline_mode = #tpu.pipeline_mode<synchronous>, transform_indices = @transform_3, window_bounds = array<i64: 4, 2048>}, {pipeline_mode = #tpu.pipeline_mode<synchronous>, transform_indices = @transform_4, window_bounds = array<i64: 4, 2048>}, {pipeline_mode = #tpu.pipeline_mode<synchronous>, transform_indices = @transform_5, window_bounds = array<i64: 4, 2048>}, {pipeline_mode = #tpu.pipeline_mode<synchronous>, transform_indices = @transform_6, window_bounds = array<i64: 4, 2048>}, {pipeline_mode = #tpu.pipeline_mode<synchronous>, transform_indices = @transform_7, window_bounds = array<i64: 4, 2048>}, {transform_indices = @transform_8, window_bounds = array<i64: 1, 1024, 96>}, {transform_indices = @transform_9, window_bounds = array<i64: 1, 1024, 96>}, {transform_indices = @transform_10, window_bounds = array<i64: 1, 1024, 11>}, {pipeline_mode = #tpu.pipeline_mode<synchronous>, transform_indices = @transform_11, window_bounds = array<i64: 256, 768>}, {pipeline_mode = #tpu.pipeline_mode<synchronous>, transform_indices = @transform_12, window_bounds = array<i64: 12, 192>}, {pipeline_mode = #tpu.pipeline_mode<synchronous>, transform_indices = @transform_13, window_bounds = array<i64: 12, 192>}, {pipeline_mode = #tpu.pipeline_mode<synchronous>, transform_indices = @transform_14, window_bounds = array<i64: 12, 192>}, {pipeline_mode = #tpu.pipeline_mode<synchronous>, transform_indices = @transform_15, window_bounds = array<i64: 12, 192>}, {pipeline_mode = #tpu.pipeline_mode<synchronous>, transform_indices = @transform_16, window_bounds = array<i64: 257, 96>}, {pipeline_mode = #tpu.pipeline_mode<synchronous>, transform_indices = @transform_17, window_bounds = array<i64: 257, 96>}, {pipeline_mode = #tpu.pipeline_mode<synchronous>, transform_indices = @transform_18, window_bounds = array<i64: 2, 288>}, {pipeline_mode = #tpu.pipeline_mode<synchronous>, transform_indices = @transform_19, window_bounds = array<i64: 768, 11>}, {pipeline_mode = #tpu.pipeline_mode<synchronous>, transform_indices = @transform_20, window_bounds = array<i64: 768>}, {pipeline_mode = #tpu.pipeline_mode<synchronous>, transform_indices = @transform_21, window_bounds = array<i64: 768>}, {transform_indices = @transform_22, window_bounds = array<i64: 1, 1024, 768>}]} {
    %mul3A = arith.constant 1024 : i32
    %mul3A_0 = arith.muli %arg1, %mul3A : i32
    %get3A = arith.index_cast %arg0 : i32 to index
    %get3A_1 = arith.index_cast %mul3A_0 : i32 to index
    %get3A_2 = vector.load %arg4[%get3A, %get3A_1] : memref<4x2048xi32, #tpu.memory_space<vmem>>, vector<1x1024xi32>
    %get3A_3 = vector.shape_cast %get3A_2 : vector<1x1024xi32> to vector<1024xi32>
    %broadcast_in_dim3A = vector.shape_cast %get3A_3 : vector<1024xi32> to vector<1024x1xi32>
    %iota3A = tpu.iota {dimensions = array<i32: 1>} : vector<1024x12xi32>
    %eq3A = vector.broadcast %broadcast_in_dim3A : vector<1024x1xi32> to vector<1024x12xi32>
    %eq3A_4 = arith.cmpi eq, %eq3A, %iota3A : vector<1024x12xi32>
    %convert_element_type3A = arith.extui %eq3A_4 : vector<1024x12xi1> to vector<1024x12xi32>
    %convert_element_type3A_5 = arith.sitofp %convert_element_type3A : vector<1024x12xi32> to vector<1024x12xf32>
    %get3A_6 = arith.constant 0 : index
    %get3A_7 = arith.constant 0 : index
    %get3A_8 = vector.load %arg14[%get3A_6, %get3A_7] : memref<12x192xf32, #tpu.memory_space<vmem>>, vector<12x192xf32>
    %convert_element_type3A_9 = arith.truncf %get3A_8 : vector<12x192xf32> to vector<12x192xbf16>
    %convert_element_type3A_10 = arith.extf %convert_element_type3A_9 : vector<12x192xbf16> to vector<12x192xf32>
    %sub3A = arith.subf %get3A_8, %convert_element_type3A_10 : vector<12x192xf32>
    %dot_general3A = arith.constant dense<0.000000e+00> : vector<1024x192xf32>
    %dot_general3A_11 = tpu.matmul %convert_element_type3A_5, %convert_element_type3A_10, %dot_general3A {dimension_numbers = #tpu.dot_dimension_numbers<[1], [0], [0], [1], [0, 0, 1, 1], [], []>, transpose_lhs_hint = false} : vector<1024x12xf32>, vector<12x192xf32>, vector<1024x192xf32> -> vector<1024x192xf32>
    %dot_general3A_12 = arith.constant dense<0.000000e+00> : vector<1024x192xf32>
    %dot_general3A_13 = tpu.matmul %convert_element_type3A_5, %sub3A, %dot_general3A_12 {dimension_numbers = #tpu.dot_dimension_numbers<[1], [0], [0], [1], [0, 0, 1, 1], [], []>, transpose_lhs_hint = false} : vector<1024x12xf32>, vector<12x192xf32>, vector<1024x192xf32> -> vector<1024x192xf32>
    %add3A = arith.addf %dot_general3A_11, %dot_general3A_13 : vector<1024x192xf32>
    %get3A_14 = arith.index_cast %arg0 : i32 to index
    %get3A_15 = arith.index_cast %mul3A_0 : i32 to index
    %get3A_16 = vector.load %arg5[%get3A_14, %get3A_15] : memref<4x2048xi32, #tpu.memory_space<vmem>>, vector<1x1024xi32>
    %get3A_17 = vector.shape_cast %get3A_16 : vector<1x1024xi32> to vector<1024xi32>
    %broadcast_in_dim3A_18 = vector.shape_cast %get3A_17 : vector<1024xi32> to vector<1024x1xi32>
    %iota3A_19 = tpu.iota {dimensions = array<i32: 1>} : vector<1024x12xi32>
    %eq3A_20 = vector.broadcast %broadcast_in_dim3A_18 : vector<1024x1xi32> to vector<1024x12xi32>
    %eq3A_21 = arith.cmpi eq, %eq3A_20, %iota3A_19 : vector<1024x12xi32>
    %convert_element_type3A_22 = arith.extui %eq3A_21 : vector<1024x12xi1> to vector<1024x12xi32>
    %convert_element_type3A_23 = arith.sitofp %convert_element_type3A_22 : vector<1024x12xi32> to vector<1024x12xf32>
    %get3A_24 = arith.constant 0 : index
    %get3A_25 = arith.constant 0 : index
    %get3A_26 = vector.load %arg15[%get3A_24, %get3A_25] : memref<12x192xf32, #tpu.memory_space<vmem>>, vector<12x192xf32>
    %convert_element_type3A_27 = arith.truncf %get3A_26 : vector<12x192xf32> to vector<12x192xbf16>
    %convert_element_type3A_28 = arith.extf %convert_element_type3A_27 : vector<12x192xbf16> to vector<12x192xf32>
    %sub3A_29 = arith.subf %get3A_26, %convert_element_type3A_28 : vector<12x192xf32>
    %dot_general3A_30 = arith.constant dense<0.000000e+00> : vector<1024x192xf32>
    %dot_general3A_31 = tpu.matmul %convert_element_type3A_23, %convert_element_type3A_28, %dot_general3A_30 {dimension_numbers = #tpu.dot_dimension_numbers<[1], [0], [0], [1], [0, 0, 1, 1], [], []>, transpose_lhs_hint = false} : vector<1024x12xf32>, vector<12x192xf32>, vector<1024x192xf32> -> vector<1024x192xf32>
    %dot_general3A_32 = arith.constant dense<0.000000e+00> : vector<1024x192xf32>
    %dot_general3A_33 = tpu.matmul %convert_element_type3A_23, %sub3A_29, %dot_general3A_32 {dimension_numbers = #tpu.dot_dimension_numbers<[1], [0], [0], [1], [0, 0, 1, 1], [], []>, transpose_lhs_hint = false} : vector<1024x12xf32>, vector<12x192xf32>, vector<1024x192xf32> -> vector<1024x192xf32>
    %add3A_34 = arith.addf %dot_general3A_31, %dot_general3A_33 : vector<1024x192xf32>
    %get3A_35 = arith.index_cast %arg0 : i32 to index
    %get3A_36 = arith.index_cast %mul3A_0 : i32 to index
    %get3A_37 = vector.load %arg6[%get3A_35, %get3A_36] : memref<4x2048xi32, #tpu.memory_space<vmem>>, vector<1x1024xi32>
    %get3A_38 = vector.shape_cast %get3A_37 : vector<1x1024xi32> to vector<1024xi32>
    %broadcast_in_dim3A_39 = vector.shape_cast %get3A_38 : vector<1024xi32> to vector<1024x1xi32>
    %iota3A_40 = tpu.iota {dimensions = array<i32: 1>} : vector<1024x12xi32>
    %eq3A_41 = vector.broadcast %broadcast_in_dim3A_39 : vector<1024x1xi32> to vector<1024x12xi32>
    %eq3A_42 = arith.cmpi eq, %eq3A_41, %iota3A_40 : vector<1024x12xi32>
    %convert_element_type3A_43 = arith.extui %eq3A_42 : vector<1024x12xi1> to vector<1024x12xi32>
    %convert_element_type3A_44 = arith.sitofp %convert_element_type3A_43 : vector<1024x12xi32> to vector<1024x12xf32>
    %get3A_45 = arith.constant 0 : index
    %get3A_46 = arith.constant 0 : index
    %get3A_47 = vector.load %arg16[%get3A_45, %get3A_46] : memref<12x192xf32, #tpu.memory_space<vmem>>, vector<12x192xf32>
    %convert_element_type3A_48 = arith.truncf %get3A_47 : vector<12x192xf32> to vector<12x192xbf16>
    %convert_element_type3A_49 = arith.extf %convert_element_type3A_48 : vector<12x192xbf16> to vector<12x192xf32>
    %sub3A_50 = arith.subf %get3A_47, %convert_element_type3A_49 : vector<12x192xf32>
    %dot_general3A_51 = arith.constant dense<0.000000e+00> : vector<1024x192xf32>
    %dot_general3A_52 = tpu.matmul %convert_element_type3A_44, %convert_element_type3A_49, %dot_general3A_51 {dimension_numbers = #tpu.dot_dimension_numbers<[1], [0], [0], [1], [0, 0, 1, 1], [], []>, transpose_lhs_hint = false} : vector<1024x12xf32>, vector<12x192xf32>, vector<1024x192xf32> -> vector<1024x192xf32>
    %dot_general3A_53 = arith.constant dense<0.000000e+00> : vector<1024x192xf32>
    %dot_general3A_54 = tpu.matmul %convert_element_type3A_44, %sub3A_50, %dot_general3A_53 {dimension_numbers = #tpu.dot_dimension_numbers<[1], [0], [0], [1], [0, 0, 1, 1], [], []>, transpose_lhs_hint = false} : vector<1024x12xf32>, vector<12x192xf32>, vector<1024x192xf32> -> vector<1024x192xf32>
    %add3A_55 = arith.addf %dot_general3A_52, %dot_general3A_54 : vector<1024x192xf32>
    %get3A_56 = arith.index_cast %arg0 : i32 to index
    %get3A_57 = arith.index_cast %mul3A_0 : i32 to index
    %get3A_58 = vector.load %arg7[%get3A_56, %get3A_57] : memref<4x2048xi32, #tpu.memory_space<vmem>>, vector<1x1024xi32>
    %get3A_59 = vector.shape_cast %get3A_58 : vector<1x1024xi32> to vector<1024xi32>
    %broadcast_in_dim3A_60 = vector.shape_cast %get3A_59 : vector<1024xi32> to vector<1024x1xi32>
    %iota3A_61 = tpu.iota {dimensions = array<i32: 1>} : vector<1024x12xi32>
    %eq3A_62 = vector.broadcast %broadcast_in_dim3A_60 : vector<1024x1xi32> to vector<1024x12xi32>
    %eq3A_63 = arith.cmpi eq, %eq3A_62, %iota3A_61 : vector<1024x12xi32>
    %convert_element_type3A_64 = arith.extui %eq3A_63 : vector<1024x12xi1> to vector<1024x12xi32>
    %convert_element_type3A_65 = arith.sitofp %convert_element_type3A_64 : vector<1024x12xi32> to vector<1024x12xf32>
    %get3A_66 = arith.constant 0 : index
    %get3A_67 = arith.constant 0 : index
    %get3A_68 = vector.load %arg17[%get3A_66, %get3A_67] : memref<12x192xf32, #tpu.memory_space<vmem>>, vector<12x192xf32>
    %convert_element_type3A_69 = arith.truncf %get3A_68 : vector<12x192xf32> to vector<12x192xbf16>
    %convert_element_type3A_70 = arith.extf %convert_element_type3A_69 : vector<12x192xbf16> to vector<12x192xf32>
    %sub3A_71 = arith.subf %get3A_68, %convert_element_type3A_70 : vector<12x192xf32>
    %dot_general3A_72 = arith.constant dense<0.000000e+00> : vector<1024x192xf32>
    %dot_general3A_73 = tpu.matmul %convert_element_type3A_65, %convert_element_type3A_70, %dot_general3A_72 {dimension_numbers = #tpu.dot_dimension_numbers<[1], [0], [0], [1], [0, 0, 1, 1], [], []>, transpose_lhs_hint = false} : vector<1024x12xf32>, vector<12x192xf32>, vector<1024x192xf32> -> vector<1024x192xf32>
    %dot_general3A_74 = arith.constant dense<0.000000e+00> : vector<1024x192xf32>
    %dot_general3A_75 = tpu.matmul %convert_element_type3A_65, %sub3A_71, %dot_general3A_74 {dimension_numbers = #tpu.dot_dimension_numbers<[1], [0], [0], [1], [0, 0, 1, 1], [], []>, transpose_lhs_hint = false} : vector<1024x12xf32>, vector<12x192xf32>, vector<1024x192xf32> -> vector<1024x192xf32>
    %add3A_76 = arith.addf %dot_general3A_73, %dot_general3A_75 : vector<1024x192xf32>
    %concatenate3A = tpu.concatenate %add3A, %add3A_34, %add3A_55, %add3A_76 in 1 : vector<1024x192xf32>, vector<1024x192xf32>, vector<1024x192xf32>, vector<1024x192xf32> -> vector<1024x768xf32>
    %get3A_77 = arith.index_cast %arg0 : i32 to index
    %get3A_78 = arith.index_cast %mul3A_0 : i32 to index
    %get3A_79 = vector.load %arg3[%get3A_77, %get3A_78] : memref<4x2048xi32, #tpu.memory_space<vmem>>, vector<1x1024xi32>
    %get3A_80 = vector.shape_cast %get3A_79 : vector<1x1024xi32> to vector<1024xi32>
    %broadcast_in_dim3A_81 = vector.shape_cast %get3A_80 : vector<1024xi32> to vector<1024x1xi32>
    %iota3A_82 = tpu.iota {dimensions = array<i32: 1>} : vector<1024x256xi32>
    %eq3A_83 = vector.broadcast %broadcast_in_dim3A_81 : vector<1024x1xi32> to vector<1024x256xi32>
    %eq3A_84 = arith.cmpi eq, %eq3A_83, %iota3A_82 : vector<1024x256xi32>
    %convert_element_type3A_85 = arith.extui %eq3A_84 : vector<1024x256xi1> to vector<1024x256xi32>
    %convert_element_type3A_86 = arith.sitofp %convert_element_type3A_85 : vector<1024x256xi32> to vector<1024x256xf32>
    %get3A_87 = arith.constant 0 : index
    %get3A_88 = arith.constant 0 : index
    %get3A_89 = vector.load %arg13[%get3A_87, %get3A_88] : memref<256x768xf32, #tpu.memory_space<vmem>>, vector<256x768xf32>
    %convert_element_type3A_90 = arith.truncf %get3A_89 : vector<256x768xf32> to vector<256x768xbf16>
    %convert_element_type3A_91 = arith.extf %convert_element_type3A_90 : vector<256x768xbf16> to vector<256x768xf32>
    %sub3A_92 = arith.subf %get3A_89, %convert_element_type3A_91 : vector<256x768xf32>
    %dot_general3A_93 = arith.constant dense<0.000000e+00> : vector<1024x768xf32>
    %dot_general3A_94 = tpu.matmul %convert_element_type3A_86, %convert_element_type3A_91, %dot_general3A_93 {dimension_numbers = #tpu.dot_dimension_numbers<[1], [0], [0], [1], [0, 0, 1, 1], [], []>, transpose_lhs_hint = false} : vector<1024x256xf32>, vector<256x768xf32>, vector<1024x768xf32> -> vector<1024x768xf32>
    %dot_general3A_95 = arith.constant dense<0.000000e+00> : vector<1024x768xf32>
    %dot_general3A_96 = tpu.matmul %convert_element_type3A_86, %sub3A_92, %dot_general3A_95 {dimension_numbers = #tpu.dot_dimension_numbers<[1], [0], [0], [1], [0, 0, 1, 1], [], []>, transpose_lhs_hint = false} : vector<1024x256xf32>, vector<256x768xf32>, vector<1024x768xf32> -> vector<1024x768xf32>
    %add3A_97 = arith.addf %dot_general3A_94, %dot_general3A_96 : vector<1024x768xf32>
    %get3A_98 = arith.index_cast %arg0 : i32 to index
    %get3A_99 = arith.index_cast %mul3A_0 : i32 to index
    %get3A_100 = vector.load %arg8[%get3A_98, %get3A_99] : memref<4x2048xi32, #tpu.memory_space<vmem>>, vector<1x1024xi32>
    %get3A_101 = vector.shape_cast %get3A_100 : vector<1x1024xi32> to vector<1024xi32>
    %broadcast_in_dim3A_102 = vector.shape_cast %get3A_101 : vector<1024xi32> to vector<1024x1xi32>
    %iota3A_103 = tpu.iota {dimensions = array<i32: 1>} : vector<1024x257xi32>
    %eq3A_104 = vector.broadcast %broadcast_in_dim3A_102 : vector<1024x1xi32> to vector<1024x257xi32>
    %eq3A_105 = arith.cmpi eq, %eq3A_104, %iota3A_103 : vector<1024x257xi32>
    %convert_element_type3A_106 = arith.extui %eq3A_105 : vector<1024x257xi1> to vector<1024x257xi32>
    %convert_element_type3A_107 = arith.sitofp %convert_element_type3A_106 : vector<1024x257xi32> to vector<1024x257xf32>
    %get3A_108 = arith.constant 0 : index
    %get3A_109 = arith.constant 0 : index
    %get3A_110 = vector.load %arg18[%get3A_108, %get3A_109] : memref<257x96xf32, #tpu.memory_space<vmem>>, vector<257x96xf32>
    %convert_element_type3A_111 = arith.truncf %get3A_110 : vector<257x96xf32> to vector<257x96xbf16>
    %convert_element_type3A_112 = arith.extf %convert_element_type3A_111 : vector<257x96xbf16> to vector<257x96xf32>
    %sub3A_113 = arith.subf %get3A_110, %convert_element_type3A_112 : vector<257x96xf32>
    %dot_general3A_114 = arith.constant dense<0.000000e+00> : vector<1024x96xf32>
    %dot_general3A_115 = tpu.matmul %convert_element_type3A_107, %convert_element_type3A_112, %dot_general3A_114 {dimension_numbers = #tpu.dot_dimension_numbers<[1], [0], [0], [1], [0, 0, 1, 1], [], []>, transpose_lhs_hint = false} : vector<1024x257xf32>, vector<257x96xf32>, vector<1024x96xf32> -> vector<1024x96xf32>
    %dot_general3A_116 = arith.constant dense<0.000000e+00> : vector<1024x96xf32>
    %dot_general3A_117 = tpu.matmul %convert_element_type3A_107, %sub3A_113, %dot_general3A_116 {dimension_numbers = #tpu.dot_dimension_numbers<[1], [0], [0], [1], [0, 0, 1, 1], [], []>, transpose_lhs_hint = false} : vector<1024x257xf32>, vector<257x96xf32>, vector<1024x96xf32> -> vector<1024x96xf32>
    %add3A_118 = arith.addf %dot_general3A_115, %dot_general3A_117 : vector<1024x96xf32>
    %get3A_119 = arith.index_cast %arg0 : i32 to index
    %get3A_120 = arith.index_cast %mul3A_0 : i32 to index
    %get3A_121 = vector.load %arg9[%get3A_119, %get3A_120] : memref<4x2048xi32, #tpu.memory_space<vmem>>, vector<1x1024xi32>
    %get3A_122 = vector.shape_cast %get3A_121 : vector<1x1024xi32> to vector<1024xi32>
    %broadcast_in_dim3A_123 = vector.shape_cast %get3A_122 : vector<1024xi32> to vector<1024x1xi32>
    %iota3A_124 = tpu.iota {dimensions = array<i32: 1>} : vector<1024x257xi32>
    %eq3A_125 = vector.broadcast %broadcast_in_dim3A_123 : vector<1024x1xi32> to vector<1024x257xi32>
    %eq3A_126 = arith.cmpi eq, %eq3A_125, %iota3A_124 : vector<1024x257xi32>
    %convert_element_type3A_127 = arith.extui %eq3A_126 : vector<1024x257xi1> to vector<1024x257xi32>
    %convert_element_type3A_128 = arith.sitofp %convert_element_type3A_127 : vector<1024x257xi32> to vector<1024x257xf32>
    %get3A_129 = arith.constant 0 : index
    %get3A_130 = arith.constant 0 : index
    %get3A_131 = vector.load %arg19[%get3A_129, %get3A_130] : memref<257x96xf32, #tpu.memory_space<vmem>>, vector<257x96xf32>
    %convert_element_type3A_132 = arith.truncf %get3A_131 : vector<257x96xf32> to vector<257x96xbf16>
    %convert_element_type3A_133 = arith.extf %convert_element_type3A_132 : vector<257x96xbf16> to vector<257x96xf32>
    %sub3A_134 = arith.subf %get3A_131, %convert_element_type3A_133 : vector<257x96xf32>
    %dot_general3A_135 = arith.constant dense<0.000000e+00> : vector<1024x96xf32>
    %dot_general3A_136 = tpu.matmul %convert_element_type3A_128, %convert_element_type3A_133, %dot_general3A_135 {dimension_numbers = #tpu.dot_dimension_numbers<[1], [0], [0], [1], [0, 0, 1, 1], [], []>, transpose_lhs_hint = false} : vector<1024x257xf32>, vector<257x96xf32>, vector<1024x96xf32> -> vector<1024x96xf32>
    %dot_general3A_137 = arith.constant dense<0.000000e+00> : vector<1024x96xf32>
    %dot_general3A_138 = tpu.matmul %convert_element_type3A_128, %sub3A_134, %dot_general3A_137 {dimension_numbers = #tpu.dot_dimension_numbers<[1], [0], [0], [1], [0, 0, 1, 1], [], []>, transpose_lhs_hint = false} : vector<1024x257xf32>, vector<257x96xf32>, vector<1024x96xf32> -> vector<1024x96xf32>
    %add3A_139 = arith.addf %dot_general3A_136, %dot_general3A_138 : vector<1024x96xf32>
    %get3A_140 = arith.constant 0 : index
    %get3A_141 = arith.constant 0 : index
    %get3A_142 = arith.constant 0 : index
    %get3A_143 = vector.load %arg10[%get3A_140, %get3A_141, %get3A_142] : memref<1x1024x96xi32, #tpu.memory_space<vmem>>, vector<1x1024x96xi32>
    %get3A_144 = vector.shape_cast %get3A_143 : vector<1x1024x96xi32> to vector<1024x96xi32>
    %convert_element_type3A_145 = arith.sitofp %get3A_144 : vector<1024x96xi32> to vector<1024x96xf32>
    %get3A_146 = arith.constant 0 : index
    %get3A_147 = arith.constant 0 : index
    %get3A_148 = arith.constant 0 : index
    %get3A_149 = vector.load %arg11[%get3A_146, %get3A_147, %get3A_148] : memref<1x1024x96xi32, #tpu.memory_space<vmem>>, vector<1x1024x96xi32>
    %get3A_150 = vector.shape_cast %get3A_149 : vector<1x1024x96xi32> to vector<1024x96xi32>
    %convert_element_type3A_151 = arith.sitofp %get3A_150 : vector<1024x96xi32> to vector<1024x96xf32>
    %tile3A = tpu.concatenate %convert_element_type3A_145, %convert_element_type3A_145, %convert_element_type3A_145 in 1 : vector<1024x96xf32>, vector<1024x96xf32>, vector<1024x96xf32> -> vector<1024x288xf32>
    %get3A_152 = arith.constant 0 : index
    %get3A_153 = arith.constant 0 : index
    %get3A_154 = vector.load %arg20[%get3A_152, %get3A_153] : memref<2x288xf32, #tpu.memory_space<vmem>>, vector<1x288xf32>
    %get3A_155 = vector.shape_cast %get3A_154 : vector<1x288xf32> to vector<288xf32>
    %broadcast_in_dim3A_156 = vector.shape_cast %get3A_155 : vector<288xf32> to vector<1x288xf32>
    %mul3A_157 = vector.broadcast %broadcast_in_dim3A_156 : vector<1x288xf32> to vector<1024x288xf32>
    %mul3A_158 = arith.mulf %tile3A, %mul3A_157 : vector<1024x288xf32>
    %tile3A_159 = tpu.concatenate %convert_element_type3A_151, %convert_element_type3A_151, %convert_element_type3A_151 in 1 : vector<1024x96xf32>, vector<1024x96xf32>, vector<1024x96xf32> -> vector<1024x288xf32>
    %get3A_160 = arith.constant 1 : index
    %get3A_161 = arith.constant 0 : index
    %get3A_162 = vector.load %arg20[%get3A_160, %get3A_161] : memref<2x288xf32, #tpu.memory_space<vmem>>, vector<1x288xf32>
    %get3A_163 = vector.shape_cast %get3A_162 : vector<1x288xf32> to vector<288xf32>
    %broadcast_in_dim3A_164 = vector.shape_cast %get3A_163 : vector<288xf32> to vector<1x288xf32>
    %mul3A_165 = vector.broadcast %broadcast_in_dim3A_164 : vector<1x288xf32> to vector<1024x288xf32>
    %mul3A_166 = arith.mulf %tile3A_159, %mul3A_165 : vector<1024x288xf32>
    %concatenate3A_167 = tpu.concatenate %add3A_118, %mul3A_166, %add3A_139, %mul3A_158 in 1 : vector<1024x96xf32>, vector<1024x288xf32>, vector<1024x96xf32>, vector<1024x288xf32> -> vector<1024x768xf32>
    %add3A_168 = arith.addf %add3A_97, %concatenate3A_167 : vector<1024x768xf32>
    %get3A_169 = arith.constant 0 : index
    %get3A_170 = arith.constant 0 : index
    %get3A_171 = arith.constant 0 : index
    %get3A_172 = vector.load %arg12[%get3A_169, %get3A_170, %get3A_171] : memref<1x1024x11xf32, #tpu.memory_space<vmem>>, vector<1x1024x11xf32>
    %get3A_173 = vector.shape_cast %get3A_172 : vector<1x1024x11xf32> to vector<1024x11xf32>
    %convert_element_type3A_174 = arith.truncf %get3A_173 : vector<1024x11xf32> to vector<1024x11xbf16>
    %convert_element_type3A_175 = arith.extf %convert_element_type3A_174 : vector<1024x11xbf16> to vector<1024x11xf32>
    %sub3A_176 = arith.subf %get3A_173, %convert_element_type3A_175 : vector<1024x11xf32>
    %get3A_177 = arith.constant 0 : index
    %get3A_178 = arith.constant 0 : index
    %get3A_179 = vector.load %arg21[%get3A_177, %get3A_178] : memref<768x11xf32, #tpu.memory_space<vmem>>, vector<768x11xf32>
    %convert_element_type3A_180 = arith.truncf %get3A_179 : vector<768x11xf32> to vector<768x11xbf16>
    %convert_element_type3A_181 = arith.extf %convert_element_type3A_180 : vector<768x11xbf16> to vector<768x11xf32>
    %sub3A_182 = arith.subf %get3A_179, %convert_element_type3A_181 : vector<768x11xf32>
    %dot_general3A_183 = arith.constant dense<0.000000e+00> : vector<1024x768xf32>
    %dot_general3A_184 = tpu.matmul %convert_element_type3A_175, %convert_element_type3A_181, %dot_general3A_183 {dimension_numbers = #tpu.dot_dimension_numbers<[1], [1], [0], [0], [0, 0, 1, 0], [], []>, transpose_lhs_hint = false} : vector<1024x11xf32>, vector<768x11xf32>, vector<1024x768xf32> -> vector<1024x768xf32>
    %dot_general3A_185 = arith.constant dense<0.000000e+00> : vector<1024x768xf32>
    %dot_general3A_186 = tpu.matmul %convert_element_type3A_175, %sub3A_182, %dot_general3A_185 {dimension_numbers = #tpu.dot_dimension_numbers<[1], [1], [0], [0], [0, 0, 1, 0], [], []>, transpose_lhs_hint = false} : vector<1024x11xf32>, vector<768x11xf32>, vector<1024x768xf32> -> vector<1024x768xf32>
    %add3A_187 = arith.addf %dot_general3A_184, %dot_general3A_186 : vector<1024x768xf32>
    %dot_general3A_188 = arith.constant dense<0.000000e+00> : vector<1024x768xf32>
    %dot_general3A_189 = tpu.matmul %sub3A_176, %convert_element_type3A_181, %dot_general3A_188 {dimension_numbers = #tpu.dot_dimension_numbers<[1], [1], [0], [0], [0, 0, 1, 0], [], []>, transpose_lhs_hint = false} : vector<1024x11xf32>, vector<768x11xf32>, vector<1024x768xf32> -> vector<1024x768xf32>
    %add3A_190 = arith.addf %add3A_187, %dot_general3A_189 : vector<1024x768xf32>
    %get3A_191 = arith.constant 0 : index
    %get3A_192 = arith.constant 0 : index
    %get3A_193 = vector.load %arg2[%get3A_191, %get3A_192] : memref<1024x768xf32, #tpu.memory_space<vmem>>, vector<1024x768xf32>
    %add3A_194 = arith.addf %get3A_193, %concatenate3A : vector<1024x768xf32>
    %add3A_195 = arith.addf %add3A_194, %add3A_168 : vector<1024x768xf32>
    %add3A_196 = arith.addf %add3A_195, %add3A_190 : vector<1024x768xf32>
    %reduce_sum3A = arith.constant dense<0.000000e+00> : vector<1024xf32>
    %reduce_sum3A_197 = vector.multi_reduction <add>, %add3A_196, %reduce_sum3A [1] : vector<1024x768xf32> to vector<1024xf32>
    %broadcast_in_dim3A_198 = vector.shape_cast %reduce_sum3A_197 : vector<1024xf32> to vector<1024x1xf32>
    %div3A = arith.constant 7.680000e+02 : f32
    %div3A_199 = vector.broadcast %div3A : f32 to vector<1024x1xf32>
    %div3A_200 = arith.divf %broadcast_in_dim3A_198, %div3A_199 : vector<1024x1xf32>
    %sub3A_201 = vector.broadcast %div3A_200 : vector<1024x1xf32> to vector<1024x768xf32>
    %sub3A_202 = arith.subf %add3A_196, %sub3A_201 : vector<1024x768xf32>
    %integer_pow3A = arith.mulf %sub3A_202, %sub3A_202 : vector<1024x768xf32>
    %reduce_sum3A_203 = arith.constant dense<0.000000e+00> : vector<1024xf32>
    %reduce_sum3A_204 = vector.multi_reduction <add>, %integer_pow3A, %reduce_sum3A_203 [1] : vector<1024x768xf32> to vector<1024xf32>
    %broadcast_in_dim3A_205 = vector.shape_cast %reduce_sum3A_204 : vector<1024xf32> to vector<1024x1xf32>
    %div3A_206 = arith.constant 7.680000e+02 : f32
    %div3A_207 = vector.broadcast %div3A_206 : f32 to vector<1024x1xf32>
    %div3A_208 = arith.divf %broadcast_in_dim3A_205, %div3A_207 : vector<1024x1xf32>
    %sub3A_209 = vector.broadcast %div3A_200 : vector<1024x1xf32> to vector<1024x768xf32>
    %sub3A_210 = arith.subf %add3A_196, %sub3A_209 : vector<1024x768xf32>
    %add3A_211 = arith.constant 9.99999997E-7 : f32
    %add3A_212 = vector.broadcast %add3A_211 : f32 to vector<1024x1xf32>
    %add3A_213 = arith.addf %div3A_208, %add3A_212 : vector<1024x1xf32>
    %rsqrt3A = math.rsqrt %add3A_213 : vector<1024x1xf32>
    %mul3A_214 = vector.broadcast %rsqrt3A : vector<1024x1xf32> to vector<1024x768xf32>
    %mul3A_215 = arith.mulf %sub3A_210, %mul3A_214 : vector<1024x768xf32>
    %get3A_216 = arith.constant 0 : index
    %get3A_217 = vector.load %arg22[%get3A_216] : memref<768xf32, #tpu.memory_space<vmem>>, vector<768xf32>
    %broadcast_in_dim3A_218 = vector.shape_cast %get3A_217 : vector<768xf32> to vector<1x768xf32>
    %mul3A_219 = vector.broadcast %broadcast_in_dim3A_218 : vector<1x768xf32> to vector<1024x768xf32>
    %mul3A_220 = arith.mulf %mul3A_215, %mul3A_219 : vector<1024x768xf32>
    %get3A_221 = arith.constant 0 : index
    %get3A_222 = vector.load %arg23[%get3A_221] : memref<768xf32, #tpu.memory_space<vmem>>, vector<768xf32>
    %broadcast_in_dim3A_223 = vector.shape_cast %get3A_222 : vector<768xf32> to vector<1x768xf32>
    %add3A_224 = vector.broadcast %broadcast_in_dim3A_223 : vector<1x768xf32> to vector<1024x768xf32>
    %add3A_225 = arith.addf %mul3A_220, %add3A_224 : vector<1024x768xf32>
    %swap3A = arith.constant 0 : index
    %swap3A_226 = arith.constant 0 : index
    %swap3A_227 = arith.constant 0 : index
    %swap3A_228 = vector.load %arg24[%swap3A, %swap3A_226, %swap3A_227] : memref<1x1024x768xf32, #tpu.memory_space<vmem>>, vector<1x1024x768xf32>
    %swap3A_229 = vector.shape_cast %swap3A_228 : vector<1x1024x768xf32> to vector<1024x768xf32>
    %swap3A_230 = vector.shape_cast %add3A_225 : vector<1024x768xf32> to vector<1x1024x768xf32>
    tpu.vector_store %arg24[%swap3A, %swap3A_226, %swap3A_227], %swap3A_230 {strides = array<i32>} : memref<1x1024x768xf32, #tpu.memory_space<vmem>>, vector<1x1024x768xf32>,
    return
  }
  func.func @transform_0(%arg0: i32, %arg1: i32) -> (i32, i32) {
    %mul3A = arith.constant 2 : i32
    %mul3A_0 = arith.muli %arg0, %mul3A : i32
    %add3A = arith.addi %mul3A_0, %arg1 : i32
    %c0_i32 = arith.constant 0 : i32
    %c0_i32_1 = arith.constant 0 : i32
    return %add3A, %c0_i32 : i32, i32
  }
  func.func @transform_1(%arg0: i32, %arg1: i32) -> (i32, i32) {
    %c0_i32 = arith.constant 0 : i32
    %c0_i32_0 = arith.constant 0 : i32
    %c0_i32_1 = arith.constant 0 : i32
    return %c0_i32, %c0_i32_0 : i32, i32
  }
  func.func @transform_2(%arg0: i32, %arg1: i32) -> (i32, i32) {
    %c0_i32 = arith.constant 0 : i32
    %c0_i32_0 = arith.constant 0 : i32
    %c0_i32_1 = arith.constant 0 : i32
    return %c0_i32, %c0_i32_0 : i32, i32
  }
  func.func @transform_3(%arg0: i32, %arg1: i32) -> (i32, i32) {
    %c0_i32 = arith.constant 0 : i32
    %c0_i32_0 = arith.constant 0 : i32
    %c0_i32_1 = arith.constant 0 : i32
    return %c0_i32, %c0_i32_0 : i32, i32
  }
  func.func @transform_4(%arg0: i32, %arg1: i32) -> (i32, i32) {
    %c0_i32 = arith.constant 0 : i32
    %c0_i32_0 = arith.constant 0 : i32
    %c0_i32_1 = arith.constant 0 : i32
    return %c0_i32, %c0_i32_0 : i32, i32
  }
  func.func @transform_5(%arg0: i32, %arg1: i32) -> (i32, i32) {
    %c0_i32 = arith.constant 0 : i32
    %c0_i32_0 = arith.constant 0 : i32
    %c0_i32_1 = arith.constant 0 : i32
    return %c0_i32, %c0_i32_0 : i32, i32
  }
  func.func @transform_6(%arg0: i32, %arg1: i32) -> (i32, i32) {
    %c0_i32 = arith.constant 0 : i32
    %c0_i32_0 = arith.constant 0 : i32
    %c0_i32_1 = arith.constant 0 : i32
    return %c0_i32, %c0_i32_0 : i32, i32
  }
  func.func @transform_7(%arg0: i32, %arg1: i32) -> (i32, i32) {
    %c0_i32 = arith.constant 0 : i32
    %c0_i32_0 = arith.constant 0 : i32
    %c0_i32_1 = arith.constant 0 : i32
    return %c0_i32, %c0_i32_0 : i32, i32
  }
  func.func @transform_8(%arg0: i32, %arg1: i32) -> (i32, i32, i32) {
    %c0_i32 = arith.constant 0 : i32
    %c0_i32_0 = arith.constant 0 : i32
    return %arg0, %arg1, %c0_i32 : i32, i32, i32
  }
  func.func @transform_9(%arg0: i32, %arg1: i32) -> (i32, i32, i32) {
    %c0_i32 = arith.constant 0 : i32
    %c0_i32_0 = arith.constant 0 : i32
    return %arg0, %arg1, %c0_i32 : i32, i32, i32
  }
  func.func @transform_10(%arg0: i32, %arg1: i32) -> (i32, i32, i32) {
    %c0_i32 = arith.constant 0 : i32
    %c0_i32_0 = arith.constant 0 : i32
    return %arg0, %arg1, %c0_i32 : i32, i32, i32
  }
  func.func @transform_11(%arg0: i32, %arg1: i32) -> (i32, i32) {
    %c0_i32 = arith.constant 0 : i32
    %c0_i32_0 = arith.constant 0 : i32
    %c0_i32_1 = arith.constant 0 : i32
    return %c0_i32, %c0_i32_0 : i32, i32
  }
  func.func @transform_12(%arg0: i32, %arg1: i32) -> (i32, i32) {
    %c0_i32 = arith.constant 0 : i32
    %c0_i32_0 = arith.constant 0 : i32
    %c0_i32_1 = arith.constant 0 : i32
    return %c0_i32, %c0_i32_0 : i32, i32
  }
  func.func @transform_13(%arg0: i32, %arg1: i32) -> (i32, i32) {
    %c0_i32 = arith.constant 0 : i32
    %c0_i32_0 = arith.constant 0 : i32
    %c0_i32_1 = arith.constant 0 : i32
    return %c0_i32, %c0_i32_0 : i32, i32
  }
  func.func @transform_14(%arg0: i32, %arg1: i32) -> (i32, i32) {
    %c0_i32 = arith.constant 0 : i32
    %c0_i32_0 = arith.constant 0 : i32
    %c0_i32_1 = arith.constant 0 : i32
    return %c0_i32, %c0_i32_0 : i32, i32
  }
  func.func @transform_15(%arg0: i32, %arg1: i32) -> (i32, i32) {
    %c0_i32 = arith.constant 0 : i32
    %c0_i32_0 = arith.constant 0 : i32
    %c0_i32_1 = arith.constant 0 : i32
    return %c0_i32, %c0_i32_0 : i32, i32
  }
  func.func @transform_16(%arg0: i32, %arg1: i32) -> (i32, i32) {
    %c0_i32 = arith.constant 0 : i32
    %c0_i32_0 = arith.constant 0 : i32
    %c0_i32_1 = arith.constant 0 : i32
    return %c0_i32, %c0_i32_0 : i32, i32
  }
  func.func @transform_17(%arg0: i32, %arg1: i32) -> (i32, i32) {
    %c0_i32 = arith.constant 0 : i32
    %c0_i32_0 = arith.constant 0 : i32
    %c0_i32_1 = arith.constant 0 : i32
    return %c0_i32, %c0_i32_0 : i32, i32
  }
  func.func @transform_18(%arg0: i32, %arg1: i32) -> (i32, i32) {
    %c0_i32 = arith.constant 0 : i32
    %c0_i32_0 = arith.constant 0 : i32
    %c0_i32_1 = arith.constant 0 : i32
    return %c0_i32, %c0_i32_0 : i32, i32
  }
  func.func @transform_19(%arg0: i32, %arg1: i32) -> (i32, i32) {
    %c0_i32 = arith.constant 0 : i32
    %c0_i32_0 = arith.constant 0 : i32
    %c0_i32_1 = arith.constant 0 : i32
    return %c0_i32, %c0_i32_0 : i32, i32
  }
  func.func @transform_20(%arg0: i32, %arg1: i32) -> i32 {
    %c0_i32 = arith.constant 0 : i32
    %c0_i32_0 = arith.constant 0 : i32
    return %c0_i32 : i32
  }
  func.func @transform_21(%arg0: i32, %arg1: i32) -> i32 {
    %c0_i32 = arith.constant 0 : i32
    %c0_i32_0 = arith.constant 0 : i32
    return %c0_i32 : i32
  }
  func.func @transform_22(%arg0: i32, %arg1: i32) -> (i32, i32, i32) {
    %c0_i32 = arith.constant 0 : i32
    %c0_i32_0 = arith.constant 0 : i32
    return %arg0, %arg1, %c0_i32 : i32, i32, i32
  }
}

</mosaic_0001>

<sc_bundles>
// kernel: kernel.4.cloned.1.call-start
scs
__scs_entry_jumppad:
0x0: {  	(pc) =	sbr.rel $0x88, $3  }
0x1: {  	(tag) =	ssettag $0x0;
	lr =	simm.s32 $0x1  }
0x2: {  	[smem:$0x3F8A] =	sst lr;
	_ =	strace $0xD0000000  }
0x3: {  	_ = 	snop  }
0x4: {  	_ = 	snop  }
0x5: {  	_ = 	snop  }
0x6: {  	_ = 	snop  }
0x7: {  	_ = 	snop  }
__scs_overlays_trampoline_lowered:
0x8: {  	[smem:$0x3F99] =	sst s0  }
0x9: {  	[smem:$0x3F9A] =	sst s1  }
0xa: {  	[smem:$0x3F9B] =	sst s2  }
0xb: {  	[smem:$0x3F9C] =	sst s3  }
0xc: {  	[smem:$0x3F9D] =	sst s4  }
0xd: {  	[smem:$0x3F9E] =	sst s5  }
0xe: {  	[smem:$0x3F9F] =	sst s6  }
0xf: {  	[smem:$0x3FA0] =	sst s7  }
0x10: {  	[smem:$0x3FA1] =	sst s8  }
0x11: {  	[smem:$0x3FA2] =	sst s9;
	s0 =	simm.s32 @!p0 $0x0  }
0x12: {  	s1 =	sld [smem:$0x3F88];
	s0 =	simm.s32 @p0 $0x1  }
0x13: {  	[smem:$0x3FA3] =	sst s0;
	s0 =	simm.s32 @!p1 $0x0  }
0x14: {  	s2 =	sld [smem:$0x3F87];
	s0 =	simm.s32 @p1 $0x1  }
0x15: {  	[smem:$0x3FA4] =	sst s0;
	s0 =	simm.s32 @!p2 $0x0  }
0x16: {  	s3 =	sld [smem:$0x3FDB];
	s0 =	simm.s32 @p2 $0x1  }
0x17: {  	s4 =	simm.s32 $0x1BF5;
	[smem:$0x3FA6] =	sst s0  }
0x18: {  	s0 =	sld [smem:$0x3F89];
	_ =	swait.ge [sflag:s4], $0x0  }
0x19: {  	s7 =	sld [smem:$0x3F8A]  }
0x1a: {  	s8 =	sadd.s32 $0xFFFFE003, lr  }
0x1b: {  	s9 =	sadd.s32 $0xFFFFFEF7, lr;
	s5 =	simm.s32 $0xFFFFFFFF;
	p2 =	slt.u32 s8, $0xFFFFF086  }
0x1c: {  	p1 =	slt.u32 s9, $0xF7A;
	s5 =	simm.s32 @!p2 $0x0  }
0x1d: {  	s5 =	simm.s32 @p1 $0x1;
	p0 =	seq.s32 s7, s2  }
0x1e: {  	s7 =	smul.u32 @!p0 $0xF7A, s2;
	p2 =	seq.s32 @!p0 s5, $0x0  }
0x1f: {  	s9 =	smul.u32 $0xF7A, s1;
	s8 =	simm.s32 @!p0 $0x1BF5;
	p2 =	por !p2, p0  }
0x20: {  	[sflag:s8] =	ssyncset.s32 @!p0 $0xFFFFF086;
	s6 =	sadd.s32 @!p0 s3, s7;
	s7 =	simm.s32 @!p0 $0x108  }
0x21: {  	s3 =	sadd.s32 s3, s9;
	s6 =	sadd.s32 @!p0 $0x88, s6;
	s7 =	simm.s32 @p2 $0x1082  }
0x22: {  	[simem:s7], [sflag:s8] =	dma.local @!p0 [hbm:s6], $0xF7A  }
0x23: {  	s9 =	sor.u32 $0xD0000000, s2;
	s6 =	simm.s32 $0x108;
	_ =	swait.ge @!p0 [sflag:s8], $0x0  }
0x24: {  	s3 =	sadd.s32 $0x88, s3;
	s6 =	simm.s32 @!p1 $0x1082;
	[sflag:s4] =	ssyncset.s32 $0xFFFFF086  }
0x25: {  	[simem:s6], [sflag:s4] =	dma.local [hbm:s3], $0xF7A  }
0x26: {  	[smem:$0x3F8A] =	sst s1;
	(tag) =	ssettag s2;
	_ =	strace s9  }
0x27: {  	s1 =	sld [smem:$0x3F9A]  }
0x28: {  	s2 =	sld [smem:$0x3F9B]  }
0x29: {  	s4 =	sld [smem:$0x3F9D]  }
0x2a: {  	p0 =	seq.s32 s5, $0x0;
	s5 =	sld [smem:$0x3F9E]  }
0x2b: {  	s6 =	sld [smem:$0x3F9F]  }
0x2c: {  	s7 =	sld [smem:$0x3FA0]  }
0x2d: {  	s3 =	simm.s32 $0x108;
	s8 =	sld [smem:$0x3FA1]  }
0x2e: {  	s3 =	simm.s32 @!p0 $0x1082;
	s9 =	sld [smem:$0x3FA2]  }
0x2f: {  	lr =	sadd.s32 s0, s3;
	s0 =	sld [smem:$0x3F99]  }
0x30: {  	s3 =	sld [smem:$0x3F9C]  }
0x31: {  	[smem:$0x3FA5] =	sst s10  }
0x32: {  	s10 =	sld [smem:$0x3FA3];
	_ =	sdelay $0x3  }
0x33: {  	p0 =	seq.s32 s10, $0x1;
	s10 =	sld [smem:$0x3FA5];
	_ =	sdelay $0x3  }
0x34: {  	[smem:$0x3FA5] =	sst s10  }
0x35: {  	s10 =	sld [smem:$0x3FA4];
	_ =	sdelay $0x3  }
0x36: {  	p1 =	seq.s32 s10, $0x1;
	s10 =	sld [smem:$0x3FA5];
	_ =	sdelay $0x3  }
0x37: {  	[smem:$0x3FA5] =	sst s10  }
0x38: {  	s10 =	sld [smem:$0x3FA6]  }
0x39: {  	_ = 	snop;
	(pc) =	sbr.ind lr, $3  }
0x3a: {  	_ = 	snop  }
0x3b: {  	_ = 	snop  }
0x3c: {  	p2 =	seq.s32 s10, $0x1;
	s10 =	sld [smem:$0x3FA5]  }
0x3d: {  	_ =	shalt  }
0x3e: {  	_ =	shalt  }
0x3f: {  	_ =	shalt  }
0x40: {  	_ =	shalt  }
0x41: {  	_ =	shalt  }
0x42: {  	_ =	shalt  }
0x43: {  	_ =	shalt  }
0x44: {  	_ =	shalt  }
0x45: {  	_ =	shalt  }
0x46: {  	_ =	shalt  }
0x47: {  	_ =	shalt  }
0x48: {  	_ =	shalt  }
0x49: {  	_ =	shalt  }
0x4a: {  	_ =	shalt  }
0x4b: {  	_ =	shalt  }
0x4c: {  	_ =	shalt  }
0x4d: {  	_ =	shalt  }
0x4e: {  	_ =	shalt  }
0x4f: {  	_ =	shalt  }
0x50: {  	_ =	shalt  }
0x51: {  	_ =	shalt  }
0x52: {  	_ =	shalt  }
0x53: {  	_ =	shalt  }
0x54: {  	_ =	shalt  }
0x55: {  	_ =	shalt  }
0x56: {  	_ =	shalt  }
0x57: {  	_ =	shalt  }
0x58: {  	_ =	shalt  }
0x59: {  	_ =	shalt  }
0x5a: {  	_ =	shalt  }
0x5b: {  	_ =	shalt  }
0x5c: {  	_ =	shalt  }
0x5d: {  	_ =	shalt  }
0x5e: {  	_ =	shalt  }
0x5f: {  	_ =	shalt  }
0x60: {  	_ =	shalt  }
0x61: {  	_ =	shalt  }
0x62: {  	_ =	shalt  }
0x63: {  	_ =	shalt  }
0x64: {  	_ =	shalt  }
0x65: {  	_ =	shalt  }
0x66: {  	_ =	shalt  }
0x67: {  	_ =	shalt  }
0x68: {  	_ =	shalt  }
0x69: {  	_ =	shalt  }
0x6a: {  	_ =	shalt  }
0x6b: {  	_ =	shalt  }
0x6c: {  	_ =	shalt  }
0x6d: {  	_ =	shalt  }
0x6e: {  	_ =	shalt  }
0x6f: {  	_ =	shalt  }
0x70: {  	_ =	shalt  }
0x71: {  	_ =	shalt  }
0x72: {  	_ =	shalt  }
0x73: {  	_ =	shalt  }
0x74: {  	_ =	shalt  }
0x75: {  	_ =	shalt  }
0x76: {  	_ =	shalt  }
0x77: {  	_ =	shalt  }
0x78: {  	_ =	shalt  }
0x79: {  	_ =	shalt  }
0x7a: {  	_ =	shalt  }
0x7b: {  	_ =	shalt  }
0x7c: {  	_ =	shalt  }
0x7d: {  	_ =	shalt  }
0x7e: {  	_ =	shalt  }
0x7f: {  	_ =	shalt  }
0x80: {  	_ =	shalt  }
0x81: {  	_ =	shalt  }
0x82: {  	_ =	shalt  }
0x83: {  	_ =	shalt  }
0x84: {  	_ =	shalt  }
0x85: {  	_ =	shalt  }
0x86: {  	_ =	shalt  }
0x87: {  	_ =	shalt  }
.Lfunc_end0:
.L_simem_size_0:
called_computation_lowered:
.L_overlay_start_0:
0x88: {  	s2 =	sld [smem:$0x3FD9]  }
0x89: {  	s3 =	sld [smem:$0x3FFE];
	_ =	sdelay $0x1  }
0x8a: {  	s1 =	srdreg.scid  }
0x8b: {  	s0 =	sand.u32 $0x1, s1  }
0x8c: {  	s17 =	sshll.u32 s0, $0xA;
	s2 =	sadd.s32 s3, s2  }
0x8d: {  	s2 =	sadd.s32 s2, s17  }
0x8e: {  	[smem:$0x3FB1] =	sst s2  }
0x8f: {  	_ = 	snop  }
0x90: {  	s2 =	sld [smem:$0x3FC9]  }
0x91: {  	s18 =	sld [smem:$0x3FBE];
	(tm) =	ssettm $0x1  }
0x92: {  	s4 =	sld [smem:$0x3FFB];
	_ =	sdelay $0x3  }
0x93: {  	_ =	strace s4  }
0x94: {  	s4 =	sld [smem:$0x3FFC];
	_ =	sdelay $0x3  }
0x95: {  	_ =	strace s4  }
0x96: {  	s4 =	sld [smem:$0x3FFD];
	_ =	sdelay $0x3  }
0x97: {  	_ =	strace s4  }
0x98: {  	_ =	strace $0x8FFFFFFF  }
0x99: {  	s19 =	sld [smem:$0x3FDB];
	_ =	sdelay $0x1  }
0x9a: {  	s5 =	simm.s32 $_scs_section_size  }
0x9b: {  	s6 =	simm.s32 $_size__tile_overlayer_lowered;
	s7 =	simm.s32 $_tile_overlayer_lowered  }
0x9c: {  	s22 =	simm.s32 $0x1BFF;
	s21 =	sshll.u32 s7, $0x1;
	s4 =	sadd.s32 s5, s19  }
0x9d: {  	s8 =	simm.s32 $0x0;
	s20 =	sshll.u32 s6, $0x1;
	s6 =	sadd.s32 s21, s4  }
0x9e: {  	[timem:s8], [sflag:s22] =	dma.local [hbm:s6], s20  }
0x9f: {  	_ =	swait.ge [sflag:s22], s20  }
0xa0: {  	s5 =	ssub.s32 $0x0, s20;
	[sflag:s22] =	ssyncset.done $0x0  }
0xa1: {  	[sflag:s22] =	ssyncadd.s32 s5;
	_ =	sdelay $0x1  }
0xa2: {  	s23 =	simm.s32 $0x1B8B  }
0xa3: {  	_ =	swait.ge [sflag:s23], $0x1  }
0xa4: {  	[sflag:s23] =	ssyncset.done $0x0  }
0xa5: {  	s25 =	simm.s32 $0x1B8E;
	s24 =	sld [smem:$0x3FFE];
	[sflag:s23] =	ssyncadd.s32 $0xFFFFFFFF  }
0xa6: {  	s26 =	simm.s32 $execute0_lowered;
	[smem:$0x3FD2] =	sst s25  }
0xa7: {  	s6 =	sshll.u32 s26, $0x1;
	_ =	strace $0x80000046;
	[dreg:$0x1] =	wrdreg $0xFFFFFFFF  }
0xa8: {  	s28 =	simm.s32 $_size_execute0_lowered;
	s4 =	sadd.s32 s4, s6;
	[dreg:$0x0] =	wrdreg $0x0  }
0xa9: {  	s6 =	sshll.u32 s28, $0x1;
	[dreg:$0x2] =	wrdreg s4  }
0xaa: {  	[dreg:$0x3] =	wrdreg s6  }
0xab: {  	[dreg:$0x4] =	wrdreg $0xC0  }
0xac: {  	_ =	task [dreg:s8], $0x5FFFF  }
0xad: {  	[dreg:$0x1] =	wrdreg $0xFFFFFFFF  }
0xae: {  	[dreg:$0x0] =	wrdreg $0x60  }
0xaf: {  	[dreg:$0x2] =	wrdreg s2  }
0xb0: {  	[dreg:$0x3] =	wrdreg s18  }
0xb1: {  	[dreg:$0x4] =	wrdreg s24  }
0xb2: {  	[dreg:$0x5] =	wrdreg $0x9  }
0xb3: {  	_ =	task.clear_ibuf [dreg:s8], $0x6FFFF;
	_ =	strace $0x90000046  }
0xb4: {  	s29 =	simm.s32 $0x9;
	_ =	strace $0x80000048  }
0xb5: {  	_ =	swait.ge [sflag:s29], $0x1  }
0xb6: {  	[sflag:s29] =	ssyncadd.s32 $0xFFFFFFFF  }
0xb7: {  	_ =	strace $0x90000048  }
0xb8: {  	_ =	sfence  }
0xb9: {  	s30 =	sld [smem:$0x0];
	_ =	sdelay $0x2  }
0xba: {  	s31 =	sshll.u32 s1, $0xD;
	s1 =	sshrl.u32 s1, $0x2  }
0xbb: {  	s3 =	sand.u32 $0x4000, s31;
	s1 =	sadd.s32 s1, s30  }
0xbc: {  	s0 =	sor.u32 s3, s0;
	s1 =	sshll.u32 s1, $0x11  }
0xbd: {  	s0 =	sor.u32 s1, s0  }
0xbe: {  	s0 =	sadd.s32 $0x8F2B, s0  }
0xbf: {  	[sflag:s0] =	ssyncadd.remote.s32 $0x1  }
0xc0: {  	_ =	sfence.sel $0xFFFF  }
0xc1: {  	[dreg:$0x0] =	wrdreg $0xFFFFFFFF;
	(pc) =	sbr.abs _section_cstart, $3  }
0xc2: {  	[dreg:$0x1] =	wrdreg $0xFFFFFFFF  }
0xc3: {  	_ =	task.clear_ibuf [dreg:s8], $0x2FFFF;
	_ =	strace $0x9FFFFFFF  }
0xc4: {  	(tm) =	ssettm $0x7FFFFFFF  }
0xc5: {  	_ =	shalt  }
tec
execute0_lowered:
.L_overlay_start_1:
0x0: {  	(tag) =	ssettag $0x1  }
0x1: {  	s0 =	rddreg [dreg:$0x0]  }
0x2: {  	s2 =	rddreg [dreg:$0x1]  }
0x3: {  	s1 =	rddreg [dreg:$0x2];
	s3 =	srdreg.scid  }
0x4: {  	s7 =	stileid.u32;
	s12 =	simm.s32 $0x100;
	s21 =	simm.s32 $0x4900  }
0x5: {  	s22 =	simm.s32 $0x5100;
	s23 =	simm.s32 $0x5900;
	s28 =	simm.s32 $0x7900  }
0x6: {  	s29 =	simm.s32 $0x8100;
	s30 =	simm.s32 $0x8900;
	s31 =	simm.s32 $0x9100  }
0x7: {  	s9 =	simm.s32 $0xA900;
	s10 =	simm.s32 $0xB100;
	s8 =	simm.s32 $0xC100  }
0x8: {  	s11 =	simm.s32 $0x3;
	s13 =	simm.s32 $0x12100;
	s14 =	simm.s32 $0x5  }
0x9: {  	s15 =	simm.s32 $0x7;
	s16 =	simm.s32 $0x0;
	s4 =	sand.u32 $0x1, s3  }
0xa: {  	s3 =	simm.s32 $0x0;
	s5 =	sshll.u32 s7, $0x9;
	s7 =	sshll.u32 s7, $0x5  }
0xb: {  	s6 =	sshll.u32 s4, $0x8;
	[smem:$0x7FF] =	sst s3;
	s4 =	ssub.s32 $0x2, s4  }
0xc: {  	s5 =	sor.u32 s6, s5;
	_ =	strace $0x80000047;
	s24 =	sshrl.u32 s4, $0x1  }
0xd: {  	s6 =	sshrl.u32 s5, $0x3;
	s5 =	sshll.u32 s5, $0x2;
	s4 =	ssub.s32 s4, s24  }
0xe: {  	s24 =	simm.s32 $0x6100;
	s6 =	smul.u32 $0x300, s6;
	s5 =	sor.u32 s7, s5  }
0xf: {  	s25 =	smax.u32 s4, $0x1;
	s4 =	simm.s32 $0xB900;
	s7 =	simm.s32 $0x1  }
.Ltmp0:
0x10: {  	s5 =	sand.u32 $0x1D80, s5;
	[dreg:$0x5] =	wrdreg s25;
	(pc) =	sbr.rel .LBB2_1-.Ltmp0, $4  }
0x11: {  	s25 =	simm.s32 $0x6900;
	s1 =	sadd.s32 s6, s1;
	s5 =	sshrl.u32 s5, $0x3  }
0x12: {  	v2 =	vlaneseq.u32;
	s6 =	sadd.s32 $0x200, s2;
	s0 =	sadd.s32 s0, s5;
	s5 =	sadd.s32 $0x100, s2  }
0x13: {  	vm0 =	vmmov $0xffff;
	v1 =	vshrl.u32 v2, $0x3;
	s26 =	sadd.s32 $0x2E00, s1;
	s1 =	simm.s32 $0xA100;
	[dreg:$0x4] =	wrdreg s0  }
0x14: {  	v0 =	vand.u32 $0x7, v2;
	v2 =	vor.u32 $0x8, v2;
	v1 =	vmul.u32 $0x8, v1;
	[dreg:$0x6] =	wrdreg s26;
	s26 =	simm.s32 $0x7100;
	s0 =	simm.s32 $0x9900  }
.LBB2_13:
0x15: {  	s17 =	simm.s32 $0x6  }
0x16: {  	_ =	swait.ge [sflag:s17], $0x6000  }
0x17: {  	[sflag:s17] =	ssyncset.done $0x0  }
0x18: {  	s18 =	simm.s32 $0x8;
	[sflag:s17] =	ssyncadd.s32 $0xFFFFA000  }
0x19: {  	_ =	swait.ge [sflag:s18], $0x6000  }
0x1a: {  	s16 =	sadd.s32 $0x1, s16;
	s20 =	rddreg [dreg:$0x5]  }
0x1b: {  	p0 =	sne.s32 s16, s20  }
.Ltmp1:
0x1c: {  	_ = 	snop;
	(pc) =	sbr.rel @!p0 .LBB2_14-.Ltmp1, $3  }
0x1d: {  	_ =	sdelay $0x1  }
0x1e: {  	[sflag:s18] =	ssyncset.done $0x0  }
0x1f: {  	[sflag:s18] =	ssyncadd.s32 $0xFFFFA000  }
.LBB2_1:
0x20: {  	s17 =	rddreg [dreg:$0x4];
	s18 =	simm.s32 $0x80;
	s19 =	simm.s32 $0x200  }
0x21: {  	[tilespmem:s3], [sflag:$0x9] =	stream.strided.gather [hbm4b:s17+s18], $0x100, s19, s18, $0x38;
	[tilespmem:$0x18100] =	vst v63  }
0x22: {  	s18 =	simm.s32 $0x9  }
0x23: {  	_ =	swait.ge [sflag:s18], $0x100  }
0x24: {  	[sflag:s18] =	ssyncset.done $0x0  }
0x25: {  	[sflag:s18] =	ssyncadd.s32 $0xFFFFFF00  }
0x26: {  	v3 =	vld [tilespmem:$0x0];
	_ =	sdelay $0x4  }
0x27: {  	v4 =	vshrl.u32 v3, $0x3  }
0x28: {  	v4 =	vmul.u32 $0x30, v4  }
0x29: {  	v3 =	vand.u32 $0x7, v3  }
0x2a: {  	v3 =	vor.u32 v3, v4  }
0x2b: {  	v4 =	vperm.xlane v3, v0;
	_ =	sdelay $0x1  }
0x2c: {  	v4 =	vadd.s32 v1, v4;
	_ =	sdelay $0x3  }
0x2d: {  	v3 =	vperm.xlane v3, v2  }
0x2e: {  	[tilespmem:s12], [sflag:$0x1] =	stream.indirect_vreg.gather [hbm4b:s2+s3], $0x80, v4, vm0, $0xb8;
	[tilespmem:$0x18100] =	vst v63  }
0x2f: {  	s19 =	simm.s32 $0x900;
	v3 =	vadd.s32 v1, v3  }
0x30: {  	[tilespmem:s19], [sflag:$0x1] =	stream.indirect_vreg.gather [hbm4b:s5+s3], $0x80, v4, vm0, $0xb8;
	[tilespmem:$0x18100] =	vst v63  }
0x31: {  	s20 =	simm.s32 $0x1100  }
0x32: {  	[tilespmem:s20], [sflag:$0x1] =	stream.indirect_vreg.gather [hbm4b:s6+s3], $0x80, v4, vm0, $0xb8;
	[tilespmem:$0x18100] =	vst v63  }
0x33: {  	s18 =	simm.s32 $0x1900  }
0x34: {  	[tilespmem:s18], [sflag:$0x1] =	stream.indirect_vreg.gather [hbm4b:s2+s3], $0x80, v3, vm0, $0xb8;
	[tilespmem:$0x18100] =	vst v63  }
0x35: {  	s19 =	simm.s32 $0x2100  }
0x36: {  	[tilespmem:s19], [sflag:$0x1] =	stream.indirect_vreg.gather [hbm4b:s5+s3], $0x80, v3, vm0, $0xb8;
	[tilespmem:$0x18100] =	vst v63  }
0x37: {  	s20 =	simm.s32 $0x2900  }
0x38: {  	[tilespmem:s20], [sflag:$0x1] =	stream.indirect_vreg.gather [hbm4b:s6+s3], $0x80, v3, vm0, $0xb8;
	[tilespmem:$0x18100] =	vst v63  }
0x39: {  	v3 =	vld [tilespmem:$0x10];
	_ =	sdelay $0x4  }
0x3a: {  	v61 =	vshrl.u32 v3, $0x3  }
0x3b: {  	v4 =	vmul.u32 $0x30, v61  }
0x3c: {  	v3 =	vand.u32 $0x7, v3  }
0x3d: {  	v3 =	vor.u32 v3, v4  }
0x3e: {  	v4 =	vperm.xlane v3, v0;
	_ =	sdelay $0x1  }
0x3f: {  	v4 =	vadd.s32 v1, v4;
	_ =	sdelay $0x3  }
0x40: {  	s18 =	simm.s32 $0x3100;
	v3 =	vperm.xlane v3, v2  }
0x41: {  	[tilespmem:s18], [sflag:$0x1] =	stream.indirect_vreg.gather [hbm4b:s2+s3], $0x80, v4, vm0, $0xb8;
	[tilespmem:$0x18100] =	vst v63  }
0x42: {  	s19 =	simm.s32 $0x3900;
	v3 =	vadd.s32 v1, v3  }
0x43: {  	[tilespmem:s19], [sflag:$0x1] =	stream.indirect_vreg.gather [hbm4b:s5+s3], $0x80, v4, vm0, $0xb8;
	[tilespmem:$0x18100] =	vst v63  }
0x44: {  	s20 =	simm.s32 $0x4100  }
0x45: {  	[tilespmem:s20], [sflag:$0x1] =	stream.indirect_vreg.gather [hbm4b:s6+s3], $0x80, v4, vm0, $0xb8;
	[tilespmem:$0x18100] =	vst v63  }
0x46: {  	_ = 	snop  }
0x47: {  	[tilespmem:s21], [sflag:$0x1] =	stream.indirect_vreg.gather [hbm4b:s2+s3], $0x80, v3, vm0, $0xb8;
	[tilespmem:$0x18100] =	vst v63  }
0x48: {  	_ = 	snop  }
0x49: {  	[tilespmem:s22], [sflag:$0x1] =	stream.indirect_vreg.gather [hbm4b:s5+s3], $0x80, v3, vm0, $0xb8;
	[tilespmem:$0x18100] =	vst v63  }
0x4a: {  	_ = 	snop  }
0x4b: {  	[tilespmem:s23], [sflag:$0x1] =	stream.indirect_vreg.gather [hbm4b:s6+s3], $0x80, v3, vm0, $0xb8;
	[tilespmem:$0x18100] =	vst v63  }
0x4c: {  	v3 =	vld [tilespmem:$0x20];
	_ =	sdelay $0x4  }
0x4d: {  	v62 =	vshrl.u32 v3, $0x3  }
0x4e: {  	v4 =	vmul.u32 $0x30, v62  }
0x4f: {  	v3 =	vand.u32 $0x7, v3  }
0x50: {  	v3 =	vor.u32 v3, v4  }
0x51: {  	v4 =	vperm.xlane v3, v0;
	_ =	sdelay $0x1  }
0x52: {  	v4 =	vadd.s32 v1, v4;
	_ =	sdelay $0x3  }
0x53: {  	v3 =	vperm.xlane v3, v2  }
0x54: {  	[tilespmem:s24], [sflag:$0x3] =	stream.indirect_vreg.gather [hbm4b:s2+s3], $0x80, v4, vm0, $0xb8;
	[tilespmem:$0x18100] =	vst v63  }
0x55: {  	v3 =	vadd.s32 v1, v3  }
0x56: {  	[tilespmem:s25], [sflag:$0x3] =	stream.indirect_vreg.gather [hbm4b:s5+s3], $0x80, v4, vm0, $0xb8;
	[tilespmem:$0x18100] =	vst v63  }
0x57: {  	_ = 	snop  }
0x58: {  	[tilespmem:s26], [sflag:$0x3] =	stream.indirect_vreg.gather [hbm4b:s6+s3], $0x80, v4, vm0, $0xb8;
	[tilespmem:$0x18100] =	vst v63  }
0x59: {  	_ = 	snop  }
0x5a: {  	[tilespmem:s28], [sflag:$0x3] =	stream.indirect_vreg.gather [hbm4b:s2+s3], $0x80, v3, vm0, $0xb8;
	[tilespmem:$0x18100] =	vst v63  }
0x5b: {  	_ = 	snop  }
0x5c: {  	[tilespmem:s29], [sflag:$0x3] =	stream.indirect_vreg.gather [hbm4b:s5+s3], $0x80, v3, vm0, $0xb8;
	[tilespmem:$0x18100] =	vst v63  }
0x5d: {  	_ = 	snop  }
0x5e: {  	[tilespmem:s30], [sflag:$0x3] =	stream.indirect_vreg.gather [hbm4b:s6+s3], $0x80, v3, vm0, $0xb8;
	[tilespmem:$0x18100] =	vst v63  }
0x5f: {  	v3 =	vld [tilespmem:$0x30];
	_ =	sdelay $0x4  }
0x60: {  	v63 =	vshrl.u32 v3, $0x3  }
0x61: {  	v4 =	vmul.u32 $0x30, v63  }
0x62: {  	v3 =	vand.u32 $0x7, v3  }
0x63: {  	v3 =	vor.u32 v3, v4  }
0x64: {  	v4 =	vperm.xlane v3, v0;
	_ =	sdelay $0x1  }
0x65: {  	v4 =	vadd.s32 v1, v4;
	_ =	sdelay $0x3  }
0x66: {  	v3 =	vperm.xlane v3, v2  }
0x67: {  	[tilespmem:s31], [sflag:$0x3] =	stream.indirect_vreg.gather [hbm4b:s2+s3], $0x80, v4, vm0, $0xb8;
	[tilespmem:$0x18100] =	vst v63  }
0x68: {  	v3 =	vadd.s32 v1, v3  }
0x69: {  	[tilespmem:s0], [sflag:$0x3] =	stream.indirect_vreg.gather [hbm4b:s5+s3], $0x80, v4, vm0, $0xb8;
	[tilespmem:$0x18100] =	vst v63  }
0x6a: {  	_ = 	snop  }
0x6b: {  	[tilespmem:s1], [sflag:$0x3] =	stream.indirect_vreg.gather [hbm4b:s6+s3], $0x80, v4, vm0, $0xb8;
	[tilespmem:$0x18100] =	vst v63  }
0x6c: {  	_ = 	snop  }
0x6d: {  	[tilespmem:s9], [sflag:$0x3] =	stream.indirect_vreg.gather [hbm4b:s2+s3], $0x80, v3, vm0, $0xb8;
	[tilespmem:$0x18100] =	vst v63  }
.Ltmp2:
0x6e: {  	_ = 	snop;
	(pc) =	sbr.rel .LBB2_2-.Ltmp2, $4  }
0x6f: {  	_ = 	snop  }
0x70: {  	[tilespmem:s10], [sflag:$0x3] =	stream.indirect_vreg.gather [hbm4b:s5+s3], $0x80, v3, vm0, $0xb8;
	[tilespmem:$0x18100] =	vst v63  }
0x71: {  	s17 =	simm.s32 $0x50;
	s18 =	rddreg [dreg:$0x6];
	s19 =	simm.s32 $0x0  }
0x72: {  	[tilespmem:s4], [sflag:$0x3] =	stream.indirect_vreg.gather [hbm4b:s6+s3], $0x80, v3, vm0, $0xb8;
	[tilespmem:$0x18100] =	vst v63  }
.LBB2_11:
0x73: {  	_ =	swait.ge [sflag:s15], $0x6000  }
0x74: {  	[sflag:s15] =	ssyncset.done $0x0  }
0x75: {  	s20 =	simm.s32 @!p0 $0x4;
	[sflag:s15] =	ssyncadd.s32 $0xFFFFA000  }
0x76: {  	[hbm4b:s18+s3] =	stream.linear.scatter [tilespmem:s13], [sflag:$0x8], $0x6000, $0x38;
	[tilespmem:$0x18100] =	vst v63  }
0x77: {  	_ =	swait.ge @!p0 [sflag:s20], $0x6000  }
0x78: {  	[sflag:s20] =	ssyncset.done @!p0 $0x0  }
0x79: {  	p1 =	por p0, !p1;
	[sflag:s20] =	ssyncadd.s32 @!p0 $0xFFFFA000  }
0x7a: {  	v3 =	vld @p1 [tilespmem:s17+$0xFFFFFFF0];
	_ =	sdelay $0x4  }
0x7b: {  	v4 =	vshrl.u32 @p1 v3, $0x3  }
0x7c: {  	v4 =	vmul.u32 @p1 $0x30, v4  }
0x7d: {  	v3 =	vand.u32 @p1 $0x7, v3  }
0x7e: {  	v3 =	vor.u32 @p1 v3, v4  }
0x7f: {  	v4 =	vperm.xlane @p1 v3, v0;
	_ =	sdelay $0x1  }
0x80: {  	v4 =	vadd.s32 @p1 v1, v4;
	_ =	sdelay $0x3  }
0x81: {  	v3 =	vperm.xlane @p1 v3, v2  }
0x82: {  	[tilespmem:s24], [sflag:$0x3] =	stream.indirect_vreg.gather @p1 [hbm4b:s2+s3], $0x80, v4, vm0, $0xb8;
	[tilespmem:$0x18100] =	vst v63  }
0x83: {  	v3 =	vadd.s32 @p1 v1, v3  }
0x84: {  	[tilespmem:s25], [sflag:$0x3] =	stream.indirect_vreg.gather @p1 [hbm4b:s5+s3], $0x80, v4, vm0, $0xb8;
	[tilespmem:$0x18100] =	vst v63  }
0x85: {  	_ = 	snop  }
0x86: {  	[tilespmem:s26], [sflag:$0x3] =	stream.indirect_vreg.gather @p1 [hbm4b:s6+s3], $0x80, v4, vm0, $0xb8;
	[tilespmem:$0x18100] =	vst v63  }
0x87: {  	_ = 	snop  }
0x88: {  	[tilespmem:s28], [sflag:$0x3] =	stream.indirect_vreg.gather @p1 [hbm4b:s2+s3], $0x80, v3, vm0, $0xb8;
	[tilespmem:$0x18100] =	vst v63  }
0x89: {  	_ = 	snop  }
0x8a: {  	[tilespmem:s29], [sflag:$0x3] =	stream.indirect_vreg.gather @p1 [hbm4b:s5+s3], $0x80, v3, vm0, $0xb8;
	[tilespmem:$0x18100] =	vst v63  }
0x8b: {  	_ = 	snop  }
0x8c: {  	[tilespmem:s30], [sflag:$0x3] =	stream.indirect_vreg.gather @p1 [hbm4b:s6+s3], $0x80, v3, vm0, $0xb8;
	[tilespmem:$0x18100] =	vst v63  }
0x8d: {  	v3 =	vld @p1 [tilespmem:s17+$0x0];
	_ =	sdelay $0x4  }
0x8e: {  	v4 =	vshrl.u32 @p1 v3, $0x3  }
0x8f: {  	v4 =	vmul.u32 @p1 $0x30, v4  }
0x90: {  	v3 =	vand.u32 @p1 $0x7, v3  }
0x91: {  	v3 =	vor.u32 @p1 v3, v4  }
0x92: {  	v4 =	vperm.xlane @p1 v3, v0;
	_ =	sdelay $0x1  }
0x93: {  	v4 =	vadd.s32 @p1 v1, v4;
	_ =	sdelay $0x3  }
0x94: {  	v3 =	vperm.xlane @p1 v3, v2  }
0x95: {  	[tilespmem:s31], [sflag:$0x3] =	stream.indirect_vreg.gather @p1 [hbm4b:s2+s3], $0x80, v4, vm0, $0xb8;
	[tilespmem:$0x18100] =	vst v63  }
0x96: {  	v3 =	vadd.s32 @p1 v1, v3  }
0x97: {  	[tilespmem:s0], [sflag:$0x3] =	stream.indirect_vreg.gather @p1 [hbm4b:s5+s3], $0x80, v4, vm0, $0xb8;
	[tilespmem:$0x18100] =	vst v63  }
0x98: {  	_ = 	snop  }
0x99: {  	[tilespmem:s1], [sflag:$0x3] =	stream.indirect_vreg.gather @p1 [hbm4b:s6+s3], $0x80, v4, vm0, $0xb8;
	[tilespmem:$0x18100] =	vst v63  }
0x9a: {  	_ = 	snop  }
0x9b: {  	[tilespmem:s9], [sflag:$0x3] =	stream.indirect_vreg.gather @p1 [hbm4b:s2+s3], $0x80, v3, vm0, $0xb8;
	[tilespmem:$0x18100] =	vst v63  }
0x9c: {  	_ = 	snop  }
0x9d: {  	[tilespmem:s10], [sflag:$0x3] =	stream.indirect_vreg.gather @p1 [hbm4b:s5+s3], $0x80, v3, vm0, $0xb8;
	[tilespmem:$0x18100] =	vst v63  }
0x9e: {  	_ = 	snop  }
0x9f: {  	[tilespmem:s4], [sflag:$0x3] =	stream.indirect_vreg.gather @p1 [hbm4b:s6+s3], $0x80, v3, vm0, $0xb8;
	[tilespmem:$0x18100] =	vst v63  }
.LBB2_12:
0xa0: {  	s19 =	sadd.s32 $0x1, s19  }
0xa1: {  	p0 =	sne.s32 s19, $0x8  }
.Ltmp3:
0xa2: {  	_ = 	snop;
	(pc) =	sbr.rel @!p0 .LBB2_13-.Ltmp3, $2  }
0xa3: {  	_ =	sdelay $0x2  }
0xa4: {  	s18 =	sadd.s32 $0xC00, s18;
	s17 =	sadd.s32 $0x20, s17  }
.LBB2_2:
0xa5: {  	s20 =	sand.u32 $0x3, s19  }
0xa6: {  	p0 =	sgt.s32 s20, $0x1  }
.Ltmp4:
0xa7: {  	_ = 	snop;
	(pc) =	sbr.rel @p0 .LBB2_10-.Ltmp4, $1  }
0xa8: {  	_ =	sdelay $0x3  }
0xa9: {  	p0 =	seq.s32 s20, $0x0  }
.Ltmp5:
0xaa: {  	_ = 	snop;
	(pc) =	sbr.rel @!p0 .LBB2_6-.Ltmp5, $1  }
0xab: {  	_ =	sdelay $0x3  }
0xac: {  	p0 =	slt.u32 s19, $0x2  }
0xad: {  	_ =	swait.ge [sflag:s7], $0x6000;
	p1 =	sgt.u32 @!p0 s19, $0x5  }
0xae: {  	[sflag:s7] =	ssyncset.done $0x0;
	p1 =	por p0, !p1  }
.Ltmp6:
0xaf: {  	s20 =	simm.s32 @!p0 $0x6;
	[sflag:s7] =	ssyncadd.s32 $0xFFFFA000;
	(pc) =	sbr.rel @!p1 .LBB2_12-.Ltmp6, $4  }
0xb0: {  	[hbm4b:s18+s3] =	stream.linear.scatter [tilespmem:s12], [sflag:$0x2], $0x6000, $0x38;
	[tilespmem:$0x18100] =	vst v63  }
0xb1: {  	_ =	swait.ge @!p0 [sflag:s20], $0x6000  }
0xb2: {  	[sflag:s20] =	ssyncset.done @!p0 $0x0  }
0xb3: {  	[sflag:s20] =	ssyncadd.s32 @!p0 $0xFFFFA000  }
0xb4: {  	v3 =	vld [tilespmem:s17+$0xFFFFFFF0];
	_ =	sdelay $0x4  }
0xb5: {  	v4 =	vshrl.u32 v3, $0x3  }
0xb6: {  	v4 =	vmul.u32 $0x30, v4  }
0xb7: {  	v3 =	vand.u32 $0x7, v3  }
0xb8: {  	v3 =	vor.u32 v3, v4  }
0xb9: {  	v4 =	vperm.xlane v3, v0;
	_ =	sdelay $0x1  }
0xba: {  	v4 =	vadd.s32 v1, v4;
	_ =	sdelay $0x3  }
0xbb: {  	v3 =	vperm.xlane v3, v2  }
0xbc: {  	[tilespmem:s8], [sflag:$0x5] =	stream.indirect_vreg.gather [hbm4b:s2+s3], $0x80, v4, vm0, $0xb8;
	[tilespmem:$0x18100] =	vst v63  }
0xbd: {  	s20 =	simm.s32 $0xC900;
	v3 =	vadd.s32 v1, v3  }
0xbe: {  	[tilespmem:s20], [sflag:$0x5] =	stream.indirect_vreg.gather [hbm4b:s5+s3], $0x80, v4, vm0, $0xb8;
	[tilespmem:$0x18100] =	vst v63  }
0xbf: {  	s20 =	simm.s32 $0xD100  }
0xc0: {  	[tilespmem:s20], [sflag:$0x5] =	stream.indirect_vreg.gather [hbm4b:s6+s3], $0x80, v4, vm0, $0xb8;
	[tilespmem:$0x18100] =	vst v63  }
0xc1: {  	s20 =	simm.s32 $0xD900  }
0xc2: {  	[tilespmem:s20], [sflag:$0x5] =	stream.indirect_vreg.gather [hbm4b:s2+s3], $0x80, v3, vm0, $0xb8;
	[tilespmem:$0x18100] =	vst v63  }
0xc3: {  	s20 =	simm.s32 $0xE100  }
0xc4: {  	[tilespmem:s20], [sflag:$0x5] =	stream.indirect_vreg.gather [hbm4b:s5+s3], $0x80, v3, vm0, $0xb8;
	[tilespmem:$0x18100] =	vst v63  }
0xc5: {  	s20 =	simm.s32 $0xE900  }
0xc6: {  	[tilespmem:s20], [sflag:$0x5] =	stream.indirect_vreg.gather [hbm4b:s6+s3], $0x80, v3, vm0, $0xb8;
	[tilespmem:$0x18100] =	vst v63  }
0xc7: {  	v3 =	vld [tilespmem:s17+$0x0];
	_ =	sdelay $0x4  }
0xc8: {  	v63 =	vshrl.u32 v3, $0x3  }
0xc9: {  	v4 =	vmul.u32 $0x30, v63  }
0xca: {  	v3 =	vand.u32 $0x7, v3  }
0xcb: {  	v3 =	vor.u32 v3, v4  }
0xcc: {  	v4 =	vperm.xlane v3, v0;
	_ =	sdelay $0x1  }
0xcd: {  	v4 =	vadd.s32 v1, v4;
	_ =	sdelay $0x3  }
0xce: {  	s20 =	simm.s32 $0xF100;
	v3 =	vperm.xlane v3, v2  }
0xcf: {  	[tilespmem:s20], [sflag:$0x5] =	stream.indirect_vreg.gather [hbm4b:s2+s3], $0x80, v4, vm0, $0xb8;
	[tilespmem:$0x18100] =	vst v63  }
0xd0: {  	v3 =	vadd.s32 v1, v3;
	s20 =	simm.s32 $0xF900  }
0xd1: {  	[tilespmem:s20], [sflag:$0x5] =	stream.indirect_vreg.gather [hbm4b:s5+s3], $0x80, v4, vm0, $0xb8;
	[tilespmem:$0x18100] =	vst v63  }
0xd2: {  	s20 =	simm.s32 $0x10100  }
0xd3: {  	[tilespmem:s20], [sflag:$0x5] =	stream.indirect_vreg.gather [hbm4b:s6+s3], $0x80, v4, vm0, $0xb8;
	[tilespmem:$0x18100] =	vst v63  }
0xd4: {  	s20 =	simm.s32 $0x10900  }
0xd5: {  	[tilespmem:s20], [sflag:$0x5] =	stream.indirect_vreg.gather [hbm4b:s2+s3], $0x80, v3, vm0, $0xb8;
	[tilespmem:$0x18100] =	vst v63  }
.Ltmp7:
0xd6: {  	_ = 	snop;
	(pc) =	sbr.rel .LBB2_12-.Ltmp7, $4  }
0xd7: {  	s20 =	simm.s32 $0x11100  }
0xd8: {  	[tilespmem:s20], [sflag:$0x5] =	stream.indirect_vreg.gather [hbm4b:s5+s3], $0x80, v3, vm0, $0xb8;
	[tilespmem:$0x18100] =	vst v63  }
0xd9: {  	s20 =	simm.s32 $0x11900  }
0xda: {  	[tilespmem:s20], [sflag:$0x5] =	stream.indirect_vreg.gather [hbm4b:s6+s3], $0x80, v3, vm0, $0xb8;
	[tilespmem:$0x18100] =	vst v63  }
.LBB2_10:
0xdb: {  	p2 =	seq.s32 s20, $0x2  }
.Ltmp8:
0xdc: {  	_ = 	snop;
	(pc) =	sbr.rel @!p2 .LBB2_11-.Ltmp8, $3  }
0xdd: {  	_ =	sdelay $0x1  }
0xde: {  	p0 =	slt.u32 s19, $0x2  }
0xdf: {  	p1 =	sgt.u32 @!p0 s19, $0x5  }
0xe0: {  	_ =	swait.ge [sflag:s14], $0x6000  }
0xe1: {  	p1 =	por p0, !p1;
	[sflag:s14] =	ssyncset.done $0x0  }
.Ltmp9:
0xe2: {  	s20 =	simm.s32 @!p0 $0x2;
	[sflag:s14] =	ssyncadd.s32 $0xFFFFA000;
	(pc) =	sbr.rel @!p1 .LBB2_12-.Ltmp9, $4  }
0xe3: {  	[hbm4b:s18+s3] =	stream.linear.scatter [tilespmem:s8], [sflag:$0x6], $0x6000, $0x38;
	[tilespmem:$0x18100] =	vst v63  }
0xe4: {  	_ =	swait.ge @!p0 [sflag:s20], $0x6000  }
0xe5: {  	[sflag:s20] =	ssyncset.done @!p0 $0x0  }
0xe6: {  	[sflag:s20] =	ssyncadd.s32 @!p0 $0xFFFFA000  }
0xe7: {  	v3 =	vld [tilespmem:s17+$0xFFFFFFF0];
	_ =	sdelay $0x4  }
0xe8: {  	v4 =	vshrl.u32 v3, $0x3  }
0xe9: {  	v4 =	vmul.u32 $0x30, v4  }
0xea: {  	v3 =	vand.u32 $0x7, v3  }
0xeb: {  	v3 =	vor.u32 v3, v4  }
0xec: {  	v4 =	vperm.xlane v3, v0;
	_ =	sdelay $0x1  }
0xed: {  	v4 =	vadd.s32 v1, v4;
	_ =	sdelay $0x3  }
0xee: {  	v3 =	vperm.xlane v3, v2  }
0xef: {  	[tilespmem:s12], [sflag:$0x1] =	stream.indirect_vreg.gather [hbm4b:s2+s3], $0x80, v4, vm0, $0xb8;
	[tilespmem:$0x18100] =	vst v63  }
0xf0: {  	s20 =	simm.s32 $0x900;
	v3 =	vadd.s32 v1, v3  }
0xf1: {  	[tilespmem:s20], [sflag:$0x1] =	stream.indirect_vreg.gather [hbm4b:s5+s3], $0x80, v4, vm0, $0xb8;
	[tilespmem:$0x18100] =	vst v63  }
0xf2: {  	s20 =	simm.s32 $0x1100  }
0xf3: {  	[tilespmem:s20], [sflag:$0x1] =	stream.indirect_vreg.gather [hbm4b:s6+s3], $0x80, v4, vm0, $0xb8;
	[tilespmem:$0x18100] =	vst v63  }
0xf4: {  	s20 =	simm.s32 $0x1900  }
0xf5: {  	[tilespmem:s20], [sflag:$0x1] =	stream.indirect_vreg.gather [hbm4b:s2+s3], $0x80, v3, vm0, $0xb8;
	[tilespmem:$0x18100] =	vst v63  }
0xf6: {  	s20 =	simm.s32 $0x2100  }
0xf7: {  	[tilespmem:s20], [sflag:$0x1] =	stream.indirect_vreg.gather [hbm4b:s5+s3], $0x80, v3, vm0, $0xb8;
	[tilespmem:$0x18100] =	vst v63  }
0xf8: {  	s20 =	simm.s32 $0x2900  }
0xf9: {  	[tilespmem:s20], [sflag:$0x1] =	stream.indirect_vreg.gather [hbm4b:s6+s3], $0x80, v3, vm0, $0xb8;
	[tilespmem:$0x18100] =	vst v63  }
0xfa: {  	v3 =	vld [tilespmem:s17+$0x0];
	_ =	sdelay $0x4  }
0xfb: {  	v63 =	vshrl.u32 v3, $0x3  }
0xfc: {  	v4 =	vmul.u32 $0x30, v63  }
0xfd: {  	v3 =	vand.u32 $0x7, v3  }
0xfe: {  	v3 =	vor.u32 v3, v4  }
0xff: {  	v4 =	vperm.xlane v3, v0;
	_ =	sdelay $0x1  }
0x100: {  	v4 =	vadd.s32 v1, v4;
	_ =	sdelay $0x3  }
0x101: {  	s20 =	simm.s32 $0x3100;
	v3 =	vperm.xlane v3, v2  }
0x102: {  	[tilespmem:s20], [sflag:$0x1] =	stream.indirect_vreg.gather [hbm4b:s2+s3], $0x80, v4, vm0, $0xb8;
	[tilespmem:$0x18100] =	vst v63  }
0x103: {  	v3 =	vadd.s32 v1, v3;
	s20 =	simm.s32 $0x3900  }
0x104: {  	[tilespmem:s20], [sflag:$0x1] =	stream.indirect_vreg.gather [hbm4b:s5+s3], $0x80, v4, vm0, $0xb8;
	[tilespmem:$0x18100] =	vst v63  }
0x105: {  	s20 =	simm.s32 $0x4100  }
0x106: {  	[tilespmem:s20], [sflag:$0x1] =	stream.indirect_vreg.gather [hbm4b:s6+s3], $0x80, v4, vm0, $0xb8;
	[tilespmem:$0x18100] =	vst v63  }
0x107: {  	_ = 	snop  }
0x108: {  	[tilespmem:s21], [sflag:$0x1] =	stream.indirect_vreg.gather [hbm4b:s2+s3], $0x80, v3, vm0, $0xb8;
	[tilespmem:$0x18100] =	vst v63  }
.Ltmp10:
0x109: {  	_ = 	snop;
	(pc) =	sbr.rel .LBB2_12-.Ltmp10, $4  }
0x10a: {  	_ = 	snop  }
0x10b: {  	[tilespmem:s22], [sflag:$0x1] =	stream.indirect_vreg.gather [hbm4b:s5+s3], $0x80, v3, vm0, $0xb8;
	[tilespmem:$0x18100] =	vst v63  }
0x10c: {  	_ = 	snop  }
0x10d: {  	[tilespmem:s23], [sflag:$0x1] =	stream.indirect_vreg.gather [hbm4b:s6+s3], $0x80, v3, vm0, $0xb8;
	[tilespmem:$0x18100] =	vst v63  }
.LBB2_6:
0x10e: {  	p0 =	slt.u32 s19, $0x2  }
0x10f: {  	_ =	swait.ge [sflag:s11], $0x6000;
	p1 =	sgt.u32 @!p0 s19, $0x5  }
0x110: {  	[sflag:s11] =	ssyncset.done $0x0;
	p1 =	por p0, !p1  }
.Ltmp11:
0x111: {  	s20 =	simm.s32 @!p0 $0x8;
	[sflag:s11] =	ssyncadd.s32 $0xFFFFA000;
	(pc) =	sbr.rel @!p1 .LBB2_12-.Ltmp11, $4  }
0x112: {  	[hbm4b:s18+s3] =	stream.linear.scatter [tilespmem:s24], [sflag:$0x4], $0x6000, $0x38;
	[tilespmem:$0x18100] =	vst v63  }
0x113: {  	_ =	swait.ge @!p0 [sflag:s20], $0x6000  }
0x114: {  	[sflag:s20] =	ssyncset.done @!p0 $0x0  }
0x115: {  	[sflag:s20] =	ssyncadd.s32 @!p0 $0xFFFFA000  }
0x116: {  	v3 =	vld [tilespmem:s17+$0xFFFFFFF0];
	_ =	sdelay $0x4  }
0x117: {  	v4 =	vshrl.u32 v3, $0x3  }
0x118: {  	v4 =	vmul.u32 $0x30, v4  }
0x119: {  	v3 =	vand.u32 $0x7, v3  }
0x11a: {  	v3 =	vor.u32 v3, v4  }
0x11b: {  	v4 =	vperm.xlane v3, v0;
	_ =	sdelay $0x1  }
0x11c: {  	v4 =	vadd.s32 v1, v4;
	_ =	sdelay $0x3  }
0x11d: {  	v3 =	vperm.xlane v3, v2  }
0x11e: {  	[tilespmem:s13], [sflag:$0x7] =	stream.indirect_vreg.gather [hbm4b:s2+s3], $0x80, v4, vm0, $0xb8;
	[tilespmem:$0x18100] =	vst v63  }
0x11f: {  	s20 =	simm.s32 $0x12900;
	v3 =	vadd.s32 v1, v3  }
0x120: {  	[tilespmem:s20], [sflag:$0x7] =	stream.indirect_vreg.gather [hbm4b:s5+s3], $0x80, v4, vm0, $0xb8;
	[tilespmem:$0x18100] =	vst v63  }
0x121: {  	s20 =	simm.s32 $0x13100  }
0x122: {  	[tilespmem:s20], [sflag:$0x7] =	stream.indirect_vreg.gather [hbm4b:s6+s3], $0x80, v4, vm0, $0xb8;
	[tilespmem:$0x18100] =	vst v63  }
0x123: {  	s20 =	simm.s32 $0x13900  }
0x124: {  	[tilespmem:s20], [sflag:$0x7] =	stream.indirect_vreg.gather [hbm4b:s2+s3], $0x80, v3, vm0, $0xb8;
	[tilespmem:$0x18100] =	vst v63  }
0x125: {  	s20 =	simm.s32 $0x14100  }
0x126: {  	[tilespmem:s20], [sflag:$0x7] =	stream.indirect_vreg.gather [hbm4b:s5+s3], $0x80, v3, vm0, $0xb8;
	[tilespmem:$0x18100] =	vst v63  }
0x127: {  	s20 =	simm.s32 $0x14900  }
0x128: {  	[tilespmem:s20], [sflag:$0x7] =	stream.indirect_vreg.gather [hbm4b:s6+s3], $0x80, v3, vm0, $0xb8;
	[tilespmem:$0x18100] =	vst v63  }
0x129: {  	v3 =	vld [tilespmem:s17+$0x0];
	_ =	sdelay $0x4  }
0x12a: {  	v63 =	vshrl.u32 v3, $0x3  }
0x12b: {  	v4 =	vmul.u32 $0x30, v63  }
0x12c: {  	v3 =	vand.u32 $0x7, v3  }
0x12d: {  	v3 =	vor.u32 v3, v4  }
0x12e: {  	v4 =	vperm.xlane v3, v0;
	_ =	sdelay $0x1  }
0x12f: {  	v4 =	vadd.s32 v1, v4;
	_ =	sdelay $0x3  }
0x130: {  	s20 =	simm.s32 $0x15100;
	v3 =	vperm.xlane v3, v2  }
0x131: {  	[tilespmem:s20], [sflag:$0x7] =	stream.indirect_vreg.gather [hbm4b:s2+s3], $0x80, v4, vm0, $0xb8;
	[tilespmem:$0x18100] =	vst v63  }
0x132: {  	v3 =	vadd.s32 v1, v3;
	s20 =	simm.s32 $0x15900  }
0x133: {  	[tilespmem:s20], [sflag:$0x7] =	stream.indirect_vreg.gather [hbm4b:s5+s3], $0x80, v4, vm0, $0xb8;
	[tilespmem:$0x18100] =	vst v63  }
0x134: {  	s20 =	simm.s32 $0x16100  }
0x135: {  	[tilespmem:s20], [sflag:$0x7] =	stream.indirect_vreg.gather [hbm4b:s6+s3], $0x80, v4, vm0, $0xb8;
	[tilespmem:$0x18100] =	vst v63  }
0x136: {  	s20 =	simm.s32 $0x16900  }
0x137: {  	[tilespmem:s20], [sflag:$0x7] =	stream.indirect_vreg.gather [hbm4b:s2+s3], $0x80, v3, vm0, $0xb8;
	[tilespmem:$0x18100] =	vst v63  }
.Ltmp12:
0x138: {  	_ = 	snop;
	(pc) =	sbr.rel .LBB2_12-.Ltmp12, $4  }
0x139: {  	s20 =	simm.s32 $0x17100  }
0x13a: {  	[tilespmem:s20], [sflag:$0x7] =	stream.indirect_vreg.gather [hbm4b:s5+s3], $0x80, v3, vm0, $0xb8;
	[tilespmem:$0x18100] =	vst v63  }
0x13b: {  	s20 =	simm.s32 $0x17900  }
0x13c: {  	[tilespmem:s20], [sflag:$0x7] =	stream.indirect_vreg.gather [hbm4b:s6+s3], $0x80, v3, vm0, $0xb8;
	[tilespmem:$0x18100] =	vst v63  }
.LBB2_14:
0x13d: {  	_ =	sfence.sel $0x180000  }
0x13e: {  	[bflag:$0x0] =	sbarrier.arrive $0xFFFF  }
0x13f: {  	_ =	strace $0x90000047  }
0x140: {  	s0 =	stileid.u32;
	[bflag:$0x2] =	sbarrier.arrive $0xFFFF  }
0x141: {  	p0 =	sne.s32 s0, $0x0;
	s0 =	rddreg [dreg:$0x3]  }
0x142: {  	s0 =	sadd.s32 @!p0 $0x100000, s0  }
0x143: {  	[sflag:s0] =	ssyncadd.tile.s32 @!p0 $0x1;
	_ =	shalt  }
.Lfunc_end2:
_tile_overlayer_lowered:
.L_overlay_start_2:
0x144: {  	(tag) =	ssettag $0x2  }
0x145: {  	s0 =	rddreg [dreg:$0x0];
	s2 =	stileid.u32  }
0x146: {  	s1 =	rddreg [dreg:$0x1];
	p0 =	sne.s32 s2, $0x0  }
0x147: {  	s3 =	rddreg [dreg:$0x2];
	[bflag:$0x3] =	sbarrier.arrive $0xFFFF;
	s2 =	simm.s32 @!p0 $0x1C09  }
0x148: {  	[timem:s3], [sflag:s2] =	dma.local @!p0 [hbm:s0], s1  }
0x149: {  	s0 =	simm.s32 @!p0 $0x9  }
0x14a: {  	_ =	swait.ge @!p0 [sflag:s0], s1  }
0x14b: {  	s1 =	ssub.s32 @!p0 $0x0, s1;
	[sflag:s0] =	ssyncset.done @!p0 $0x0  }
0x14c: {  	[sflag:s0] =	ssyncadd.s32 @!p0 s1  }
0x14d: {  	[bflag:$0x3] =	sbarrier.arrive $0xFFFF  }
0x14e: {  	_ =	shalt  }

</sc_bundles>
